<compile_context>
chip_gen: v7x
topology: tpu7x:2x2x1
jax: 0.10.2.dev20260603
libtpu: 0.0.44.dev20260713+nightly
codegen_flags: <defaults>
</compile_context>

<pallas_src>
import functools

import jax
import jax.numpy as jnp
from jax import lax
from jax.experimental import pallas as pl
from jax.experimental.pallas import tpu as pltpu
from jax.experimental.pallas import tpu_sc as plsc

N_NODES = 10000
N_EDGES = 320000
F = 128

NC = 2
NS = 16
NW = NC * NS
CHUNK = 128
N_CHUNKS = N_EDGES // CHUNK
CH_LO = N_CHUNKS // NW
N_HI = N_CHUNKS - CH_LO * NW
NR = 3
NI = 4
RCH = 80
N_RCH = N_NODES // RCH
RCH_PER_TILE = -(-N_RCH // NS)


def _mm_body(h_ref, w_ref, norm_ref, o_ref):
    o_ref[...] = jnp.dot(h_ref[...], w_ref[...],
                         preferred_element_type=jnp.float32) * norm_ref[...]


def _epilogue_body(p_ref, norm_ref, bias_ref, o_ref):
    s = p_ref[0] + p_ref[1]
    v = s * norm_ref[...] + bias_ref[...]
    o_ref[...] = jnp.where(v >= 0, v, 0.2 * v)


def _seg_sum_body(m_hbm, ei_hbm, out_hbm,
                  ibuf, rows_v, accum_sh, gsem, ssem, isem):
    c = lax.axis_index("c")
    s = lax.axis_index("s")
    wid = c * NS + s
    cstart = CH_LO * wid + jnp.minimum(wid, N_HI)
    nch = CH_LO + jnp.where(wid < N_HI, 1, 0)

    def issue_idx(j):
        q = j % NI
        off = (cstart + j) * CHUNK
        pltpu.async_copy(ei_hbm.at[pl.ds(0, 2), pl.ds(off, CHUNK)],
                         ibuf.at[q], isem.at[q])

    def wait_idx(j):
        q = j % NI
        pltpu.make_async_copy(ei_hbm.at[pl.ds(0, 2), pl.ds(0, CHUNK)],
                              ibuf.at[q], isem.at[q]).wait()

    def issue_gather(j):
        pltpu.async_copy(m_hbm.at[ibuf.at[j % NI, 0]],
                         rows_v.at[j % NR], gsem.at[j % NR])

    def wait_gather(j):
        pltpu.make_async_copy(m_hbm.at[pl.ds(0, CHUNK)], rows_v.at[j % NR],
                              gsem.at[j % NR]).wait()

    def issue_scatter(j):
        pltpu.async_copy(rows_v.at[j % NR], accum_sh.at[ibuf.at[j % NI, 1]],
                         ssem.at[j % NR], add=True)

    def wait_scatter(j):
        pltpu.make_async_copy(rows_v.at[j % NR], accum_sh.at[pl.ds(0, CHUNK)],
                              ssem.at[j % NR]).wait()

    for j in range(NR):
        issue_idx(j)

    def zero_row(i, _):
        for j in range(F // 16):
            rows_v[NR - 1, i, pl.ds(j * 16, 16)] = jnp.zeros((16,),
                                                             jnp.float32)
        return 0
    lax.fori_loop(0, RCH, zero_row, 0)
    for k in range(RCH_PER_TILE):
        idx = s * RCH_PER_TILE + k

        @pl.when(idx < N_RCH)
        def _():
            pltpu.sync_copy(rows_v.at[NR - 1, pl.ds(0, RCH)],
                            accum_sh.at[pl.ds(idx * RCH, RCH)])

    for j in range(NR - 1):
        wait_idx(j)
        issue_gather(j)
    plsc.subcore_barrier()

    def chunk_body(g, _):
        wait_gather(g)
        issue_scatter(g)
        h = g + NR - 1

        @pl.when((h < nch) & (g >= 1))
        def _():
            wait_scatter(h)

        @pl.when(h < nch)
        def _():
            wait_idx(h)
            issue_gather(h)

        @pl.when(g + NR < nch)
        def _():
            issue_idx(g + NR)
        return 0
    lax.fori_loop(0, nch, chunk_body, 0)

    def drain(j, _):
        wait_scatter(j)
        return 0
    lax.fori_loop(nch - NR, nch, drain, 0)
    plsc.subcore_barrier()

    for k in range(RCH_PER_TILE):
        idx = s * RCH_PER_TILE + k

        @pl.when(idx < N_RCH)
        def _():
            pltpu.sync_copy(accum_sh.at[pl.ds(idx * RCH, RCH)],
                            out_hbm.at[c, pl.ds(idx * RCH, RCH)])


_seg_sum = functools.partial(
    pl.kernel,
    mesh=plsc.VectorSubcoreMesh(core_axis_name="c", subcore_axis_name="s"),
    out_type=jax.ShapeDtypeStruct((NC, N_NODES, F), jnp.float32),
    scratch_types=[
        pltpu.VMEM((NI, 2, CHUNK), jnp.int32),
        pltpu.VMEM((NR, CHUNK, F), jnp.float32),
        pltpu.VMEM_SHARED((N_NODES, F), jnp.float32),
        pltpu.SemaphoreType.DMA((NR,)),
        pltpu.SemaphoreType.DMA((NR,)),
        pltpu.SemaphoreType.DMA((NI,)),
    ],
)(_seg_sum_body)


@jax.jit
def kernel(h, edge_index, W, bias, norm):
    m = pl.pallas_call(
        _mm_body,
        grid=(2,),
        in_specs=[
            pl.BlockSpec((5000, F), lambda i: (i, 0)),
            pl.BlockSpec((F, F), lambda i: (0, 0)),
            pl.BlockSpec((5000, 1), lambda i: (i, 0)),
        ],
        out_specs=pl.BlockSpec((5000, F), lambda i: (i, 0)),
        out_shape=jax.ShapeDtypeStruct((N_NODES, F), jnp.float32),
    )(h, W, norm)

    partials = _seg_sum(m, edge_index)

    out = pl.pallas_call(
        _epilogue_body,
        grid=(2,),
        in_specs=[
            pl.BlockSpec((NC, 5000, F), lambda i: (0, i, 0)),
            pl.BlockSpec((5000, 1), lambda i: (i, 0)),
            pl.BlockSpec((1, F), lambda i: (0, 0)),
        ],
        out_specs=pl.BlockSpec((5000, F), lambda i: (i, 0)),
        out_shape=jax.ShapeDtypeStruct((N_NODES, F), jnp.float32),
    )(partials, norm, bias.reshape(1, F))
    return out

# --- scband reference (transcript-rebuilt; emitter-appended) ---
"""Pipeline reference for scband-gcnlayer-30966714204803 (READ-ONLY COPY).

The authoritative reference and input builder live on the scoring server;
editing this copy changes nothing except your own understanding.
"""

import jax, jax.numpy as jnp
import numpy as np
import math

N_NODES = 10000
N_EDGES = 320000
IN_FEATS = 128
OUT_FEATS = 128


def setup_inputs(seed: int = 0) -> dict:
    key = jax.random.key(seed)
    k1, k2, k3, k4 = jax.random.split(key, 4)
    h = jax.random.normal(k1, (N_NODES, IN_FEATS), dtype=jnp.float32)
    edge_index = jax.random.randint(k2, (2, N_EDGES), 0, N_NODES, dtype=jnp.int32)
    # xavier_uniform_ with gain = calculate_gain('relu') = sqrt(2)
    gain = math.sqrt(2.0)
    bound = gain * math.sqrt(6.0 / (IN_FEATS + OUT_FEATS))
    W = jax.random.uniform(k3, (IN_FEATS, OUT_FEATS), dtype=jnp.float32, minval=-bound, maxval=bound)
    stdv = 1.0 / math.sqrt(OUT_FEATS)
    bias = jax.random.uniform(k4, (OUT_FEATS,), dtype=jnp.float32, minval=-stdv, maxval=stdv)
    # symmetric GCN normalization stored in g.ndata['norm']: deg^{-1/2}, shape [N, 1]
    deg = jnp.bincount(edge_index[1], length=N_NODES).astype(jnp.float32)
    norm = jnp.where(deg > 0, deg, 1.0) ** -0.5
    norm = norm.reshape(N_NODES, 1)
    return {"h": h, "edge_index": edge_index, "W": W, "bias": bias, "norm": norm}


def reference(h, edge_index, W, bias, norm):
    # dropout p=0.0 -> identity (self.dropout is falsy in the torch module)
    m = jnp.matmul(h, W) * norm  # pre-normalize messages
    src = edge_index[0]
    dst = edge_index[1]
    # update_all(copy_src('m'), sum -> 'n'): scatter-add messages from src to dst
    n = jax.ops.segment_sum(m[src], dst, num_segments=N_NODES)
    n = n * norm  # post-normalize
    n = n + bias
    n = jax.nn.leaky_relu(n, negative_slope=0.2)
    return n

if __name__ == "__main__":
    import jax
    _d = setup_inputs()
    print(jax.jit(kernel)(*tuple(_d.values())))

</pallas_src>

<mosaic_0001>
#map = affine_map<(d0, d1) -> (0, 0)>
#map1 = affine_map<(d0, d1) -> (0, 0, 0)>
module attributes {stable_mosaic.version = 14 : i64} {
  func.func @_seg_sum_body(%arg0: i32, %arg1: i32, %arg2: memref<10000x128xf32, #tpu.memory_space<hbm>>, %arg3: memref<2x320000xi32, #tpu.memory_space<hbm>>, %arg4: memref<2x10000x128xf32, #tpu.memory_space<hbm>>, %arg5: memref<4x2x128xi32, #tpu.memory_space<vmem>>, %arg6: memref<3x128x128xf32, #tpu.memory_space<vmem>>, %arg7: memref<10000x128xf32, #tpu.memory_space<vmem_shared>>, %arg8: memref<3x!tpu.dma_semaphore, #tpu.memory_space<semaphore_mem>>, %arg9: memref<3x!tpu.dma_semaphore, #tpu.memory_space<semaphore_mem>>, %arg10: memref<4x!tpu.dma_semaphore, #tpu.memory_space<semaphore_mem>>) attributes {dimension_semantics = [#tpu.dimension_semantics<core_parallel>, #tpu.dimension_semantics<subcore_parallel>], iteration_bounds = array<i64: 2, 16>, scalar_prefetch = 0 : i64, scratch_operands = 6 : i64, tpu.core_type = #tpu.core_type<sc_vector_subcore>, window_params = [{transform_indices = #map}, {transform_indices = #map}, {transform_indices = #map1}]} {
    %mul3A = arith.constant 16 : i32
    %mul3A_0 = arith.muli %arg0, %mul3A : i32
    %add3A = arith.addi %mul3A_0, %arg1 : i32
    %mul3A_1 = arith.constant 78 : i32
    %mul3A_2 = arith.muli %mul3A_1, %add3A : i32
    %min3A = arith.constant 4 : i32
    %min3A_3 = arith.minsi %add3A, %min3A : i32
    %add3A_4 = arith.addi %mul3A_2, %min3A_3 : i32
    %lt3A = arith.constant 4 : i32
    %lt3A_5 = arith.cmpi slt, %add3A, %lt3A : i32
    %jit3A = arith.constant 1 : i32
    %jit3A_6 = arith.constant 0 : i32
    %select_n3A = arith.select %lt3A_5, %jit3A, %jit3A_6 : i32
    %add3A_7 = arith.constant 78 : i32
    %add3A_8 = arith.addi %add3A_7, %select_n3A : i32
    %add3A_9 = arith.constant 0 : i32
    %add3A_10 = arith.addi %add3A_4, %add3A_9 : i32
    %mul3A_11 = arith.constant 128 : i32
    %mul3A_12 = arith.muli %add3A_10, %mul3A_11 : i32
    %dma_start3A = arith.constant 0 : i32
    %dma_start3A_13 = arith.constant 0 : i32
    %dma_start3A_14 = arith.constant 0 : i32
    %dma_start3A_15 = arith.constant 0 : i32
    %dma_start3A_16 = tpu.memref_slice %arg5[%dma_start3A, %dma_start3A_14, %dma_start3A_15] : memref<4x2x128xi32, #tpu.memory_space<vmem>> -> memref<1x2x128xi32, #tpu.memory_space<vmem>>
    %dma_start3A_17 = tpu.memref_squeeze %dma_start3A_16 : memref<1x2x128xi32, #tpu.memory_space<vmem>> -> memref<2x128xi32, #tpu.memory_space<vmem>>
    %dma_start3A_18 = arith.constant 0 : i32
    %dma_start3A_19 = tpu.memref_slice %arg3[%dma_start3A_18, %mul3A_12] : memref<2x320000xi32, #tpu.memory_space<hbm>> -> memref<2x128xi32, #tpu.memory_space<hbm>>
    %dma_start3A_20 = tpu.memref_slice %arg10[%dma_start3A_13] : memref<4x!tpu.dma_semaphore, #tpu.memory_space<semaphore_mem>> -> memref<1x!tpu.dma_semaphore, #tpu.memory_space<semaphore_mem>>
    %dma_start3A_21 = tpu.memref_squeeze %dma_start3A_20 : memref<1x!tpu.dma_semaphore, #tpu.memory_space<semaphore_mem>> -> memref<!tpu.dma_semaphore, #tpu.memory_space<semaphore_mem>>
    %dma_start3A_22 = arith.constant 0 : i32
    %dma_start3A_23 = arith.constant 0 : i32
    %dma_start3A_24 = tpu.memref_slice %arg5[%dma_start3A, %dma_start3A_22, %dma_start3A_23] : memref<4x2x128xi32, #tpu.memory_space<vmem>> -> memref<1x2x128xi32, #tpu.memory_space<vmem>>
    %dma_start3A_25 = tpu.memref_squeeze %dma_start3A_24 : memref<1x2x128xi32, #tpu.memory_space<vmem>> -> memref<2x128xi32, #tpu.memory_space<vmem>>
    %dma_start3A_26 = arith.constant 0 : i32
    %dma_start3A_27 = tpu.memref_slice %arg3[%dma_start3A_26, %mul3A_12] : memref<2x320000xi32, #tpu.memory_space<hbm>> -> memref<2x128xi32, #tpu.memory_space<hbm>>
    tpu.enqueue_dma source(%dma_start3A_27 : memref<2x128xi32, #tpu.memory_space<hbm>>) target(%dma_start3A_25 : memref<2x128xi32, #tpu.memory_space<vmem>>) target_semaphore(%dma_start3A_21 : memref<!tpu.dma_semaphore, #tpu.memory_space<semaphore_mem>>)
    %add3A_28 = arith.constant 1 : i32
    %add3A_29 = arith.addi %add3A_4, %add3A_28 : i32
    %mul3A_30 = arith.constant 128 : i32
    %mul3A_31 = arith.muli %add3A_29, %mul3A_30 : i32
    %dma_start3A_32 = arith.constant 1 : i32
    %dma_start3A_33 = arith.constant 1 : i32
    %dma_start3A_34 = arith.constant 0 : i32
    %dma_start3A_35 = arith.constant 0 : i32
    %dma_start3A_36 = tpu.memref_slice %arg5[%dma_start3A_32, %dma_start3A_34, %dma_start3A_35] : memref<4x2x128xi32, #tpu.memory_space<vmem>> -> memref<1x2x128xi32, #tpu.memory_space<vmem>>
    %dma_start3A_37 = tpu.memref_squeeze %dma_start3A_36 : memref<1x2x128xi32, #tpu.memory_space<vmem>> -> memref<2x128xi32, #tpu.memory_space<vmem>>
    %dma_start3A_38 = arith.constant 0 : i32
    %dma_start3A_39 = tpu.memref_slice %arg3[%dma_start3A_38, %mul3A_31] : memref<2x320000xi32, #tpu.memory_space<hbm>> -> memref<2x128xi32, #tpu.memory_space<hbm>>
    %dma_start3A_40 = tpu.memref_slice %arg10[%dma_start3A_33] : memref<4x!tpu.dma_semaphore, #tpu.memory_space<semaphore_mem>> -> memref<1x!tpu.dma_semaphore, #tpu.memory_space<semaphore_mem>>
    %dma_start3A_41 = tpu.memref_squeeze %dma_start3A_40 : memref<1x!tpu.dma_semaphore, #tpu.memory_space<semaphore_mem>> -> memref<!tpu.dma_semaphore, #tpu.memory_space<semaphore_mem>>
    %dma_start3A_42 = arith.constant 0 : i32
    %dma_start3A_43 = arith.constant 0 : i32
    %dma_start3A_44 = tpu.memref_slice %arg5[%dma_start3A_32, %dma_start3A_42, %dma_start3A_43] : memref<4x2x128xi32, #tpu.memory_space<vmem>> -> memref<1x2x128xi32, #tpu.memory_space<vmem>>
    %dma_start3A_45 = tpu.memref_squeeze %dma_start3A_44 : memref<1x2x128xi32, #tpu.memory_space<vmem>> -> memref<2x128xi32, #tpu.memory_space<vmem>>
    %dma_start3A_46 = arith.constant 0 : i32
    %dma_start3A_47 = tpu.memref_slice %arg3[%dma_start3A_46, %mul3A_31] : memref<2x320000xi32, #tpu.memory_space<hbm>> -> memref<2x128xi32, #tpu.memory_space<hbm>>
    tpu.enqueue_dma source(%dma_start3A_47 : memref<2x128xi32, #tpu.memory_space<hbm>>) target(%dma_start3A_45 : memref<2x128xi32, #tpu.memory_space<vmem>>) target_semaphore(%dma_start3A_41 : memref<!tpu.dma_semaphore, #tpu.memory_space<semaphore_mem>>)
    %add3A_48 = arith.constant 2 : i32
    %add3A_49 = arith.addi %add3A_4, %add3A_48 : i32
    %mul3A_50 = arith.constant 128 : i32
    %mul3A_51 = arith.muli %add3A_49, %mul3A_50 : i32
    %dma_start3A_52 = arith.constant 2 : i32
    %dma_start3A_53 = arith.constant 2 : i32
    %dma_start3A_54 = arith.constant 0 : i32
    %dma_start3A_55 = arith.constant 0 : i32
    %dma_start3A_56 = tpu.memref_slice %arg5[%dma_start3A_52, %dma_start3A_54, %dma_start3A_55] : memref<4x2x128xi32, #tpu.memory_space<vmem>> -> memref<1x2x128xi32, #tpu.memory_space<vmem>>
    %dma_start3A_57 = tpu.memref_squeeze %dma_start3A_56 : memref<1x2x128xi32, #tpu.memory_space<vmem>> -> memref<2x128xi32, #tpu.memory_space<vmem>>
    %dma_start3A_58 = arith.constant 0 : i32
    %dma_start3A_59 = tpu.memref_slice %arg3[%dma_start3A_58, %mul3A_51] : memref<2x320000xi32, #tpu.memory_space<hbm>> -> memref<2x128xi32, #tpu.memory_space<hbm>>
    %dma_start3A_60 = tpu.memref_slice %arg10[%dma_start3A_53] : memref<4x!tpu.dma_semaphore, #tpu.memory_space<semaphore_mem>> -> memref<1x!tpu.dma_semaphore, #tpu.memory_space<semaphore_mem>>
    %dma_start3A_61 = tpu.memref_squeeze %dma_start3A_60 : memref<1x!tpu.dma_semaphore, #tpu.memory_space<semaphore_mem>> -> memref<!tpu.dma_semaphore, #tpu.memory_space<semaphore_mem>>
    %dma_start3A_62 = arith.constant 0 : i32
    %dma_start3A_63 = arith.constant 0 : i32
    %dma_start3A_64 = tpu.memref_slice %arg5[%dma_start3A_52, %dma_start3A_62, %dma_start3A_63] : memref<4x2x128xi32, #tpu.memory_space<vmem>> -> memref<1x2x128xi32, #tpu.memory_space<vmem>>
    %dma_start3A_65 = tpu.memref_squeeze %dma_start3A_64 : memref<1x2x128xi32, #tpu.memory_space<vmem>> -> memref<2x128xi32, #tpu.memory_space<vmem>>
    %dma_start3A_66 = arith.constant 0 : i32
    %dma_start3A_67 = tpu.memref_slice %arg3[%dma_start3A_66, %mul3A_51] : memref<2x320000xi32, #tpu.memory_space<hbm>> -> memref<2x128xi32, #tpu.memory_space<hbm>>
    tpu.enqueue_dma source(%dma_start3A_67 : memref<2x128xi32, #tpu.memory_space<hbm>>) target(%dma_start3A_65 : memref<2x128xi32, #tpu.memory_space<vmem>>) target_semaphore(%dma_start3A_61 : memref<!tpu.dma_semaphore, #tpu.memory_space<semaphore_mem>>)
    %scan3A = arith.constant 0 : i32
    %scan3A_68 = arith.constant 0 : i32
    %scan3A_69 = arith.constant 80 : i32
    %scan3A_70 = arith.addi %scan3A_68, %scan3A_69 : i32
    %scan3A_71 = arith.constant 1 : i32
    %scan3A_72 = scf.for %scan3A_307 = %scan3A_68 to %scan3A_70 step %scan3A_71 iter_args(%scan3A_308 = %scan3A) -> (i32)  : i32 {
      %broadcast_in_dim3A = arith.constant 0.000000e+00 : f32
      %broadcast_in_dim3A_309 = vector.broadcast %broadcast_in_dim3A : f32 to vector<16xf32>
      %swap3A = arith.constant 2 : i32
      %swap3A_310 = arith.index_cast %swap3A : i32 to index
      %swap3A_311 = arith.index_cast %scan3A_307 : i32 to index
      %swap3A_312 = arith.constant 0 : index
      %swap3A_313 = tpu.vector_load %arg6[%swap3A_310, %swap3A_311, %swap3A_312] {strides = array<i32>} : memref<3x128x128xf32, #tpu.memory_space<vmem>>, vector<1x1x16xf32>,
      %swap3A_314 = vector.shape_cast %swap3A_313 : vector<1x1x16xf32> to vector<16xf32>
      %swap3A_315 = vector.shape_cast %broadcast_in_dim3A_309 : vector<16xf32> to vector<1x1x16xf32>
      tpu.vector_store %arg6[%swap3A_310, %swap3A_311, %swap3A_312], %swap3A_315 {strides = array<i32>} : memref<3x128x128xf32, #tpu.memory_space<vmem>>, vector<1x1x16xf32>,
      %broadcast_in_dim3A_316 = arith.constant 0.000000e+00 : f32
      %broadcast_in_dim3A_317 = vector.broadcast %broadcast_in_dim3A_316 : f32 to vector<16xf32>
      %swap3A_318 = arith.constant 2 : i32
      %swap3A_319 = arith.index_cast %swap3A_318 : i32 to index
      %swap3A_320 = arith.index_cast %scan3A_307 : i32 to index
      %swap3A_321 = arith.constant 16 : index
      %swap3A_322 = tpu.vector_load %arg6[%swap3A_319, %swap3A_320, %swap3A_321] {strides = array<i32>} : memref<3x128x128xf32, #tpu.memory_space<vmem>>, vector<1x1x16xf32>,
      %swap3A_323 = vector.shape_cast %swap3A_322 : vector<1x1x16xf32> to vector<16xf32>
      %swap3A_324 = vector.shape_cast %broadcast_in_dim3A_317 : vector<16xf32> to vector<1x1x16xf32>
      tpu.vector_store %arg6[%swap3A_319, %swap3A_320, %swap3A_321], %swap3A_324 {strides = array<i32>} : memref<3x128x128xf32, #tpu.memory_space<vmem>>, vector<1x1x16xf32>,
      %broadcast_in_dim3A_325 = arith.constant 0.000000e+00 : f32
      %broadcast_in_dim3A_326 = vector.broadcast %broadcast_in_dim3A_325 : f32 to vector<16xf32>
      %swap3A_327 = arith.constant 2 : i32
      %swap3A_328 = arith.index_cast %swap3A_327 : i32 to index
      %swap3A_329 = arith.index_cast %scan3A_307 : i32 to index
      %swap3A_330 = arith.constant 32 : index
      %swap3A_331 = tpu.vector_load %arg6[%swap3A_328, %swap3A_329, %swap3A_330] {strides = array<i32>} : memref<3x128x128xf32, #tpu.memory_space<vmem>>, vector<1x1x16xf32>,
      %swap3A_332 = vector.shape_cast %swap3A_331 : vector<1x1x16xf32> to vector<16xf32>
      %swap3A_333 = vector.shape_cast %broadcast_in_dim3A_326 : vector<16xf32> to vector<1x1x16xf32>
      tpu.vector_store %arg6[%swap3A_328, %swap3A_329, %swap3A_330], %swap3A_333 {strides = array<i32>} : memref<3x128x128xf32, #tpu.memory_space<vmem>>, vector<1x1x16xf32>,
      %broadcast_in_dim3A_334 = arith.constant 0.000000e+00 : f32
      %broadcast_in_dim3A_335 = vector.broadcast %broadcast_in_dim3A_334 : f32 to vector<16xf32>
      %swap3A_336 = arith.constant 2 : i32
      %swap3A_337 = arith.index_cast %swap3A_336 : i32 to index
      %swap3A_338 = arith.index_cast %scan3A_307 : i32 to index
      %swap3A_339 = arith.constant 48 : index
      %swap3A_340 = tpu.vector_load %arg6[%swap3A_337, %swap3A_338, %swap3A_339] {strides = array<i32>} : memref<3x128x128xf32, #tpu.memory_space<vmem>>, vector<1x1x16xf32>,
      %swap3A_341 = vector.shape_cast %swap3A_340 : vector<1x1x16xf32> to vector<16xf32>
      %swap3A_342 = vector.shape_cast %broadcast_in_dim3A_335 : vector<16xf32> to vector<1x1x16xf32>
      tpu.vector_store %arg6[%swap3A_337, %swap3A_338, %swap3A_339], %swap3A_342 {strides = array<i32>} : memref<3x128x128xf32, #tpu.memory_space<vmem>>, vector<1x1x16xf32>,
      %broadcast_in_dim3A_343 = arith.constant 0.000000e+00 : f32
      %broadcast_in_dim3A_344 = vector.broadcast %broadcast_in_dim3A_343 : f32 to vector<16xf32>
      %swap3A_345 = arith.constant 2 : i32
      %swap3A_346 = arith.index_cast %swap3A_345 : i32 to index
      %swap3A_347 = arith.index_cast %scan3A_307 : i32 to index
      %swap3A_348 = arith.constant 64 : index
      %swap3A_349 = tpu.vector_load %arg6[%swap3A_346, %swap3A_347, %swap3A_348] {strides = array<i32>} : memref<3x128x128xf32, #tpu.memory_space<vmem>>, vector<1x1x16xf32>,
      %swap3A_350 = vector.shape_cast %swap3A_349 : vector<1x1x16xf32> to vector<16xf32>
      %swap3A_351 = vector.shape_cast %broadcast_in_dim3A_344 : vector<16xf32> to vector<1x1x16xf32>
      tpu.vector_store %arg6[%swap3A_346, %swap3A_347, %swap3A_348], %swap3A_351 {strides = array<i32>} : memref<3x128x128xf32, #tpu.memory_space<vmem>>, vector<1x1x16xf32>,
      %broadcast_in_dim3A_352 = arith.constant 0.000000e+00 : f32
      %broadcast_in_dim3A_353 = vector.broadcast %broadcast_in_dim3A_352 : f32 to vector<16xf32>
      %swap3A_354 = arith.constant 2 : i32
      %swap3A_355 = arith.index_cast %swap3A_354 : i32 to index
      %swap3A_356 = arith.index_cast %scan3A_307 : i32 to index
      %swap3A_357 = arith.constant 80 : index
      %swap3A_358 = tpu.vector_load %arg6[%swap3A_355, %swap3A_356, %swap3A_357] {strides = array<i32>} : memref<3x128x128xf32, #tpu.memory_space<vmem>>, vector<1x1x16xf32>,
      %swap3A_359 = vector.shape_cast %swap3A_358 : vector<1x1x16xf32> to vector<16xf32>
      %swap3A_360 = vector.shape_cast %broadcast_in_dim3A_353 : vector<16xf32> to vector<1x1x16xf32>
      tpu.vector_store %arg6[%swap3A_355, %swap3A_356, %swap3A_357], %swap3A_360 {strides = array<i32>} : memref<3x128x128xf32, #tpu.memory_space<vmem>>, vector<1x1x16xf32>,
      %broadcast_in_dim3A_361 = arith.constant 0.000000e+00 : f32
      %broadcast_in_dim3A_362 = vector.broadcast %broadcast_in_dim3A_361 : f32 to vector<16xf32>
      %swap3A_363 = arith.constant 2 : i32
      %swap3A_364 = arith.index_cast %swap3A_363 : i32 to index
      %swap3A_365 = arith.index_cast %scan3A_307 : i32 to index
      %swap3A_366 = arith.constant 96 : index
      %swap3A_367 = tpu.vector_load %arg6[%swap3A_364, %swap3A_365, %swap3A_366] {strides = array<i32>} : memref<3x128x128xf32, #tpu.memory_space<vmem>>, vector<1x1x16xf32>,
      %swap3A_368 = vector.shape_cast %swap3A_367 : vector<1x1x16xf32> to vector<16xf32>
      %swap3A_369 = vector.shape_cast %broadcast_in_dim3A_362 : vector<16xf32> to vector<1x1x16xf32>
      tpu.vector_store %arg6[%swap3A_364, %swap3A_365, %swap3A_366], %swap3A_369 {strides = array<i32>} : memref<3x128x128xf32, #tpu.memory_space<vmem>>, vector<1x1x16xf32>,
      %broadcast_in_dim3A_370 = arith.constant 0.000000e+00 : f32
      %broadcast_in_dim3A_371 = vector.broadcast %broadcast_in_dim3A_370 : f32 to vector<16xf32>
      %swap3A_372 = arith.constant 2 : i32
      %swap3A_373 = arith.index_cast %swap3A_372 : i32 to index
      %swap3A_374 = arith.index_cast %scan3A_307 : i32 to index
      %swap3A_375 = arith.constant 112 : index
      %swap3A_376 = tpu.vector_load %arg6[%swap3A_373, %swap3A_374, %swap3A_375] {strides = array<i32>} : memref<3x128x128xf32, #tpu.memory_space<vmem>>, vector<1x1x16xf32>,
      %swap3A_377 = vector.shape_cast %swap3A_376 : vector<1x1x16xf32> to vector<16xf32>
      %swap3A_378 = vector.shape_cast %broadcast_in_dim3A_371 : vector<16xf32> to vector<1x1x16xf32>
      tpu.vector_store %arg6[%swap3A_373, %swap3A_374, %swap3A_375], %swap3A_378 {strides = array<i32>} : memref<3x128x128xf32, #tpu.memory_space<vmem>>, vector<1x1x16xf32>,
      %scan3A_379 = arith.constant 0 : i32
      scf.yield %scan3A_379 : i32
    }
    %scan3A_73 = arith.constant 80 : i32
    %mul3A_74 = arith.constant 8 : i32
    %mul3A_75 = arith.muli %arg1, %mul3A_74 : i32
    %add3A_76 = arith.constant 0 : i32
    %add3A_77 = arith.addi %mul3A_75, %add3A_76 : i32
    %lt3A_78 = arith.constant 125 : i32
    %lt3A_79 = arith.cmpi slt, %add3A_77, %lt3A_78 : i32
    %convert_element_type3A = arith.extui %lt3A_79 : i1 to i32
    %cond3A = arith.constant 0 : i32
    %cond3A_80 = arith.cmpi ne, %convert_element_type3A, %cond3A : i32
    scf.if %cond3A_80 {
      %mul3A_307 = arith.constant 80 : i32
      %mul3A_308 = arith.muli %add3A_77, %mul3A_307 : i32
      %run_scoped3A = arith.constant 2 : i32
      "tpu.region"() ({
        %run_scoped3A_309 = tpu.sem_alloc : memref<!tpu.dma_semaphore, #tpu.memory_space<semaphore_mem>>
        %dma_start3A_310 = arith.constant 0 : i32
        %dma_start3A_311 = arith.constant 0 : i32
        %dma_start3A_312 = tpu.memref_slice %arg6[%run_scoped3A, %dma_start3A_310, %dma_start3A_311] : memref<3x128x128xf32, #tpu.memory_space<vmem>> -> memref<1x80x128xf32, #tpu.memory_space<vmem>>
        %dma_start3A_313 = tpu.memref_squeeze %dma_start3A_312 : memref<1x80x128xf32, #tpu.memory_space<vmem>> -> memref<80x128xf32, #tpu.memory_space<vmem>>
        %dma_start3A_314 = arith.constant 0 : i32
        %dma_start3A_315 = tpu.memref_slice %arg7[%mul3A_308, %dma_start3A_314] : memref<10000x128xf32, #tpu.memory_space<vmem_shared>> -> memref<80x128xf32, #tpu.memory_space<vmem_shared>>
        %dma_start3A_316 = arith.constant 0 : i32
        %dma_start3A_317 = tpu.memref_slice %arg7[%mul3A_308, %dma_start3A_316] : memref<10000x128xf32, #tpu.memory_space<vmem_shared>> -> memref<80x128xf32, #tpu.memory_space<vmem_shared>>
        %dma_start3A_318 = arith.constant 0 : i32
        %dma_start3A_319 = arith.constant 0 : i32
        %dma_start3A_320 = tpu.memref_slice %arg6[%run_scoped3A, %dma_start3A_318, %dma_start3A_319] : memref<3x128x128xf32, #tpu.memory_space<vmem>> -> memref<1x80x128xf32, #tpu.memory_space<vmem>>
        %dma_start3A_321 = tpu.memref_squeeze %dma_start3A_320 : memref<1x80x128xf32, #tpu.memory_space<vmem>> -> memref<80x128xf32, #tpu.memory_space<vmem>>
        tpu.enqueue_dma source(%dma_start3A_321 : memref<80x128xf32, #tpu.memory_space<vmem>>) target(%dma_start3A_317 : memref<80x128xf32, #tpu.memory_space<vmem_shared>>) target_semaphore(%run_scoped3A_309 : memref<!tpu.dma_semaphore, #tpu.memory_space<semaphore_mem>>)
        %dma_wait3A_322 = arith.constant 0 : i32
        %dma_wait3A_323 = arith.constant 0 : i32
        %dma_wait3A_324 = tpu.memref_slice %arg6[%run_scoped3A, %dma_wait3A_322, %dma_wait3A_323] : memref<3x128x128xf32, #tpu.memory_space<vmem>> -> memref<1x80x128xf32, #tpu.memory_space<vmem>>
        %dma_wait3A_325 = tpu.memref_squeeze %dma_wait3A_324 : memref<1x80x128xf32, #tpu.memory_space<vmem>> -> memref<80x128xf32, #tpu.memory_space<vmem>>
        %dma_wait3A_326 = arith.constant 0 : i32
        %dma_wait3A_327 = tpu.memref_slice %arg7[%mul3A_308, %dma_wait3A_326] : memref<10000x128xf32, #tpu.memory_space<vmem_shared>> -> memref<80x128xf32, #tpu.memory_space<vmem_shared>>
        %dma_wait3A_328 = arith.constant 0 : i32
        %dma_wait3A_329 = tpu.memref_slice %arg7[%mul3A_308, %dma_wait3A_328] : memref<10000x128xf32, #tpu.memory_space<vmem_shared>> -> memref<80x128xf32, #tpu.memory_space<vmem_shared>>
        %dma_wait3A_330 = arith.constant 0 : i32
        %dma_wait3A_331 = arith.constant 0 : i32
        %dma_wait3A_332 = tpu.memref_slice %arg6[%run_scoped3A, %dma_wait3A_330, %dma_wait3A_331] : memref<3x128x128xf32, #tpu.memory_space<vmem>> -> memref<1x80x128xf32, #tpu.memory_space<vmem>>
        %dma_wait3A_333 = tpu.memref_squeeze %dma_wait3A_332 : memref<1x80x128xf32, #tpu.memory_space<vmem>> -> memref<80x128xf32, #tpu.memory_space<vmem>>
        tpu.wait_dma2 semaphore(%run_scoped3A_309 : memref<!tpu.dma_semaphore, #tpu.memory_space<semaphore_mem>>) src(%dma_wait3A_333 : memref<80x128xf32, #tpu.memory_space<vmem>>) dst(%dma_wait3A_329 : memref<80x128xf32, #tpu.memory_space<vmem_shared>>)
        tpu.yield
      }) : () -> ()
    } else {
    }
    %mul3A_81 = arith.constant 8 : i32
    %mul3A_82 = arith.muli %arg1, %mul3A_81 : i32
    %add3A_83 = arith.constant 1 : i32
    %add3A_84 = arith.addi %mul3A_82, %add3A_83 : i32
    %lt3A_85 = arith.constant 125 : i32
    %lt3A_86 = arith.cmpi slt, %add3A_84, %lt3A_85 : i32
    %convert_element_type3A_87 = arith.extui %lt3A_86 : i1 to i32
    %cond3A_88 = arith.constant 0 : i32
    %cond3A_89 = arith.cmpi ne, %convert_element_type3A_87, %cond3A_88 : i32
    scf.if %cond3A_89 {
      %mul3A_307 = arith.constant 80 : i32
      %mul3A_308 = arith.muli %add3A_84, %mul3A_307 : i32
      %run_scoped3A = arith.constant 2 : i32
      "tpu.region"() ({
        %run_scoped3A_309 = tpu.sem_alloc : memref<!tpu.dma_semaphore, #tpu.memory_space<semaphore_mem>>
        %dma_start3A_310 = arith.constant 0 : i32
        %dma_start3A_311 = arith.constant 0 : i32
        %dma_start3A_312 = tpu.memref_slice %arg6[%run_scoped3A, %dma_start3A_310, %dma_start3A_311] : memref<3x128x128xf32, #tpu.memory_space<vmem>> -> memref<1x80x128xf32, #tpu.memory_space<vmem>>
        %dma_start3A_313 = tpu.memref_squeeze %dma_start3A_312 : memref<1x80x128xf32, #tpu.memory_space<vmem>> -> memref<80x128xf32, #tpu.memory_space<vmem>>
        %dma_start3A_314 = arith.constant 0 : i32
        %dma_start3A_315 = tpu.memref_slice %arg7[%mul3A_308, %dma_start3A_314] : memref<10000x128xf32, #tpu.memory_space<vmem_shared>> -> memref<80x128xf32, #tpu.memory_space<vmem_shared>>
        %dma_start3A_316 = arith.constant 0 : i32
        %dma_start3A_317 = tpu.memref_slice %arg7[%mul3A_308, %dma_start3A_316] : memref<10000x128xf32, #tpu.memory_space<vmem_shared>> -> memref<80x128xf32, #tpu.memory_space<vmem_shared>>
        %dma_start3A_318 = arith.constant 0 : i32
        %dma_start3A_319 = arith.constant 0 : i32
        %dma_start3A_320 = tpu.memref_slice %arg6[%run_scoped3A, %dma_start3A_318, %dma_start3A_319] : memref<3x128x128xf32, #tpu.memory_space<vmem>> -> memref<1x80x128xf32, #tpu.memory_space<vmem>>
        %dma_start3A_321 = tpu.memref_squeeze %dma_start3A_320 : memref<1x80x128xf32, #tpu.memory_space<vmem>> -> memref<80x128xf32, #tpu.memory_space<vmem>>
        tpu.enqueue_dma source(%dma_start3A_321 : memref<80x128xf32, #tpu.memory_space<vmem>>) target(%dma_start3A_317 : memref<80x128xf32, #tpu.memory_space<vmem_shared>>) target_semaphore(%run_scoped3A_309 : memref<!tpu.dma_semaphore, #tpu.memory_space<semaphore_mem>>)
        %dma_wait3A_322 = arith.constant 0 : i32
        %dma_wait3A_323 = arith.constant 0 : i32
        %dma_wait3A_324 = tpu.memref_slice %arg6[%run_scoped3A, %dma_wait3A_322, %dma_wait3A_323] : memref<3x128x128xf32, #tpu.memory_space<vmem>> -> memref<1x80x128xf32, #tpu.memory_space<vmem>>
        %dma_wait3A_325 = tpu.memref_squeeze %dma_wait3A_324 : memref<1x80x128xf32, #tpu.memory_space<vmem>> -> memref<80x128xf32, #tpu.memory_space<vmem>>
        %dma_wait3A_326 = arith.constant 0 : i32
        %dma_wait3A_327 = tpu.memref_slice %arg7[%mul3A_308, %dma_wait3A_326] : memref<10000x128xf32, #tpu.memory_space<vmem_shared>> -> memref<80x128xf32, #tpu.memory_space<vmem_shared>>
        %dma_wait3A_328 = arith.constant 0 : i32
        %dma_wait3A_329 = tpu.memref_slice %arg7[%mul3A_308, %dma_wait3A_328] : memref<10000x128xf32, #tpu.memory_space<vmem_shared>> -> memref<80x128xf32, #tpu.memory_space<vmem_shared>>
        %dma_wait3A_330 = arith.constant 0 : i32
        %dma_wait3A_331 = arith.constant 0 : i32
        %dma_wait3A_332 = tpu.memref_slice %arg6[%run_scoped3A, %dma_wait3A_330, %dma_wait3A_331] : memref<3x128x128xf32, #tpu.memory_space<vmem>> -> memref<1x80x128xf32, #tpu.memory_space<vmem>>
        %dma_wait3A_333 = tpu.memref_squeeze %dma_wait3A_332 : memref<1x80x128xf32, #tpu.memory_space<vmem>> -> memref<80x128xf32, #tpu.memory_space<vmem>>
        tpu.wait_dma2 semaphore(%run_scoped3A_309 : memref<!tpu.dma_semaphore, #tpu.memory_space<semaphore_mem>>) src(%dma_wait3A_333 : memref<80x128xf32, #tpu.memory_space<vmem>>) dst(%dma_wait3A_329 : memref<80x128xf32, #tpu.memory_space<vmem_shared>>)
        tpu.yield
      }) : () -> ()
    } else {
    }
    %mul3A_90 = arith.constant 8 : i32
    %mul3A_91 = arith.muli %arg1, %mul3A_90 : i32
    %add3A_92 = arith.constant 2 : i32
    %add3A_93 = arith.addi %mul3A_91, %add3A_92 : i32
    %lt3A_94 = arith.constant 125 : i32
    %lt3A_95 = arith.cmpi slt, %add3A_93, %lt3A_94 : i32
    %convert_element_type3A_96 = arith.extui %lt3A_95 : i1 to i32
    %cond3A_97 = arith.constant 0 : i32
    %cond3A_98 = arith.cmpi ne, %convert_element_type3A_96, %cond3A_97 : i32
    scf.if %cond3A_98 {
      %mul3A_307 = arith.constant 80 : i32
      %mul3A_308 = arith.muli %add3A_93, %mul3A_307 : i32
      %run_scoped3A = arith.constant 2 : i32
      "tpu.region"() ({
        %run_scoped3A_309 = tpu.sem_alloc : memref<!tpu.dma_semaphore, #tpu.memory_space<semaphore_mem>>
        %dma_start3A_310 = arith.constant 0 : i32
        %dma_start3A_311 = arith.constant 0 : i32
        %dma_start3A_312 = tpu.memref_slice %arg6[%run_scoped3A, %dma_start3A_310, %dma_start3A_311] : memref<3x128x128xf32, #tpu.memory_space<vmem>> -> memref<1x80x128xf32, #tpu.memory_space<vmem>>
        %dma_start3A_313 = tpu.memref_squeeze %dma_start3A_312 : memref<1x80x128xf32, #tpu.memory_space<vmem>> -> memref<80x128xf32, #tpu.memory_space<vmem>>
        %dma_start3A_314 = arith.constant 0 : i32
        %dma_start3A_315 = tpu.memref_slice %arg7[%mul3A_308, %dma_start3A_314] : memref<10000x128xf32, #tpu.memory_space<vmem_shared>> -> memref<80x128xf32, #tpu.memory_space<vmem_shared>>
        %dma_start3A_316 = arith.constant 0 : i32
        %dma_start3A_317 = tpu.memref_slice %arg7[%mul3A_308, %dma_start3A_316] : memref<10000x128xf32, #tpu.memory_space<vmem_shared>> -> memref<80x128xf32, #tpu.memory_space<vmem_shared>>
        %dma_start3A_318 = arith.constant 0 : i32
        %dma_start3A_319 = arith.constant 0 : i32
        %dma_start3A_320 = tpu.memref_slice %arg6[%run_scoped3A, %dma_start3A_318, %dma_start3A_319] : memref<3x128x128xf32, #tpu.memory_space<vmem>> -> memref<1x80x128xf32, #tpu.memory_space<vmem>>
        %dma_start3A_321 = tpu.memref_squeeze %dma_start3A_320 : memref<1x80x128xf32, #tpu.memory_space<vmem>> -> memref<80x128xf32, #tpu.memory_space<vmem>>
        tpu.enqueue_dma source(%dma_start3A_321 : memref<80x128xf32, #tpu.memory_space<vmem>>) target(%dma_start3A_317 : memref<80x128xf32, #tpu.memory_space<vmem_shared>>) target_semaphore(%run_scoped3A_309 : memref<!tpu.dma_semaphore, #tpu.memory_space<semaphore_mem>>)
        %dma_wait3A_322 = arith.constant 0 : i32
        %dma_wait3A_323 = arith.constant 0 : i32
        %dma_wait3A_324 = tpu.memref_slice %arg6[%run_scoped3A, %dma_wait3A_322, %dma_wait3A_323] : memref<3x128x128xf32, #tpu.memory_space<vmem>> -> memref<1x80x128xf32, #tpu.memory_space<vmem>>
        %dma_wait3A_325 = tpu.memref_squeeze %dma_wait3A_324 : memref<1x80x128xf32, #tpu.memory_space<vmem>> -> memref<80x128xf32, #tpu.memory_space<vmem>>
        %dma_wait3A_326 = arith.constant 0 : i32
        %dma_wait3A_327 = tpu.memref_slice %arg7[%mul3A_308, %dma_wait3A_326] : memref<10000x128xf32, #tpu.memory_space<vmem_shared>> -> memref<80x128xf32, #tpu.memory_space<vmem_shared>>
        %dma_wait3A_328 = arith.constant 0 : i32
        %dma_wait3A_329 = tpu.memref_slice %arg7[%mul3A_308, %dma_wait3A_328] : memref<10000x128xf32, #tpu.memory_space<vmem_shared>> -> memref<80x128xf32, #tpu.memory_space<vmem_shared>>
        %dma_wait3A_330 = arith.constant 0 : i32
        %dma_wait3A_331 = arith.constant 0 : i32
        %dma_wait3A_332 = tpu.memref_slice %arg6[%run_scoped3A, %dma_wait3A_330, %dma_wait3A_331] : memref<3x128x128xf32, #tpu.memory_space<vmem>> -> memref<1x80x128xf32, #tpu.memory_space<vmem>>
        %dma_wait3A_333 = tpu.memref_squeeze %dma_wait3A_332 : memref<1x80x128xf32, #tpu.memory_space<vmem>> -> memref<80x128xf32, #tpu.memory_space<vmem>>
        tpu.wait_dma2 semaphore(%run_scoped3A_309 : memref<!tpu.dma_semaphore, #tpu.memory_space<semaphore_mem>>) src(%dma_wait3A_333 : memref<80x128xf32, #tpu.memory_space<vmem>>) dst(%dma_wait3A_329 : memref<80x128xf32, #tpu.memory_space<vmem_shared>>)
        tpu.yield
      }) : () -> ()
    } else {
    }
    %mul3A_99 = arith.constant 8 : i32
    %mul3A_100 = arith.muli %arg1, %mul3A_99 : i32
    %add3A_101 = arith.constant 3 : i32
    %add3A_102 = arith.addi %mul3A_100, %add3A_101 : i32
    %lt3A_103 = arith.constant 125 : i32
    %lt3A_104 = arith.cmpi slt, %add3A_102, %lt3A_103 : i32
    %convert_element_type3A_105 = arith.extui %lt3A_104 : i1 to i32
    %cond3A_106 = arith.constant 0 : i32
    %cond3A_107 = arith.cmpi ne, %convert_element_type3A_105, %cond3A_106 : i32
    scf.if %cond3A_107 {
      %mul3A_307 = arith.constant 80 : i32
      %mul3A_308 = arith.muli %add3A_102, %mul3A_307 : i32
      %run_scoped3A = arith.constant 2 : i32
      "tpu.region"() ({
        %run_scoped3A_309 = tpu.sem_alloc : memref<!tpu.dma_semaphore, #tpu.memory_space<semaphore_mem>>
        %dma_start3A_310 = arith.constant 0 : i32
        %dma_start3A_311 = arith.constant 0 : i32
        %dma_start3A_312 = tpu.memref_slice %arg6[%run_scoped3A, %dma_start3A_310, %dma_start3A_311] : memref<3x128x128xf32, #tpu.memory_space<vmem>> -> memref<1x80x128xf32, #tpu.memory_space<vmem>>
        %dma_start3A_313 = tpu.memref_squeeze %dma_start3A_312 : memref<1x80x128xf32, #tpu.memory_space<vmem>> -> memref<80x128xf32, #tpu.memory_space<vmem>>
        %dma_start3A_314 = arith.constant 0 : i32
        %dma_start3A_315 = tpu.memref_slice %arg7[%mul3A_308, %dma_start3A_314] : memref<10000x128xf32, #tpu.memory_space<vmem_shared>> -> memref<80x128xf32, #tpu.memory_space<vmem_shared>>
        %dma_start3A_316 = arith.constant 0 : i32
        %dma_start3A_317 = tpu.memref_slice %arg7[%mul3A_308, %dma_start3A_316] : memref<10000x128xf32, #tpu.memory_space<vmem_shared>> -> memref<80x128xf32, #tpu.memory_space<vmem_shared>>
        %dma_start3A_318 = arith.constant 0 : i32
        %dma_start3A_319 = arith.constant 0 : i32
        %dma_start3A_320 = tpu.memref_slice %arg6[%run_scoped3A, %dma_start3A_318, %dma_start3A_319] : memref<3x128x128xf32, #tpu.memory_space<vmem>> -> memref<1x80x128xf32, #tpu.memory_space<vmem>>
        %dma_start3A_321 = tpu.memref_squeeze %dma_start3A_320 : memref<1x80x128xf32, #tpu.memory_space<vmem>> -> memref<80x128xf32, #tpu.memory_space<vmem>>
        tpu.enqueue_dma source(%dma_start3A_321 : memref<80x128xf32, #tpu.memory_space<vmem>>) target(%dma_start3A_317 : memref<80x128xf32, #tpu.memory_space<vmem_shared>>) target_semaphore(%run_scoped3A_309 : memref<!tpu.dma_semaphore, #tpu.memory_space<semaphore_mem>>)
        %dma_wait3A_322 = arith.constant 0 : i32
        %dma_wait3A_323 = arith.constant 0 : i32
        %dma_wait3A_324 = tpu.memref_slice %arg6[%run_scoped3A, %dma_wait3A_322, %dma_wait3A_323] : memref<3x128x128xf32, #tpu.memory_space<vmem>> -> memref<1x80x128xf32, #tpu.memory_space<vmem>>
        %dma_wait3A_325 = tpu.memref_squeeze %dma_wait3A_324 : memref<1x80x128xf32, #tpu.memory_space<vmem>> -> memref<80x128xf32, #tpu.memory_space<vmem>>
        %dma_wait3A_326 = arith.constant 0 : i32
        %dma_wait3A_327 = tpu.memref_slice %arg7[%mul3A_308, %dma_wait3A_326] : memref<10000x128xf32, #tpu.memory_space<vmem_shared>> -> memref<80x128xf32, #tpu.memory_space<vmem_shared>>
        %dma_wait3A_328 = arith.constant 0 : i32
        %dma_wait3A_329 = tpu.memref_slice %arg7[%mul3A_308, %dma_wait3A_328] : memref<10000x128xf32, #tpu.memory_space<vmem_shared>> -> memref<80x128xf32, #tpu.memory_space<vmem_shared>>
        %dma_wait3A_330 = arith.constant 0 : i32
        %dma_wait3A_331 = arith.constant 0 : i32
        %dma_wait3A_332 = tpu.memref_slice %arg6[%run_scoped3A, %dma_wait3A_330, %dma_wait3A_331] : memref<3x128x128xf32, #tpu.memory_space<vmem>> -> memref<1x80x128xf32, #tpu.memory_space<vmem>>
        %dma_wait3A_333 = tpu.memref_squeeze %dma_wait3A_332 : memref<1x80x128xf32, #tpu.memory_space<vmem>> -> memref<80x128xf32, #tpu.memory_space<vmem>>
        tpu.wait_dma2 semaphore(%run_scoped3A_309 : memref<!tpu.dma_semaphore, #tpu.memory_space<semaphore_mem>>) src(%dma_wait3A_333 : memref<80x128xf32, #tpu.memory_space<vmem>>) dst(%dma_wait3A_329 : memref<80x128xf32, #tpu.memory_space<vmem_shared>>)
        tpu.yield
      }) : () -> ()
    } else {
    }
    %mul3A_108 = arith.constant 8 : i32
    %mul3A_109 = arith.muli %arg1, %mul3A_108 : i32
    %add3A_110 = arith.constant 4 : i32
    %add3A_111 = arith.addi %mul3A_109, %add3A_110 : i32
    %lt3A_112 = arith.constant 125 : i32
    %lt3A_113 = arith.cmpi slt, %add3A_111, %lt3A_112 : i32
    %convert_element_type3A_114 = arith.extui %lt3A_113 : i1 to i32
    %cond3A_115 = arith.constant 0 : i32
    %cond3A_116 = arith.cmpi ne, %convert_element_type3A_114, %cond3A_115 : i32
    scf.if %cond3A_116 {
      %mul3A_307 = arith.constant 80 : i32
      %mul3A_308 = arith.muli %add3A_111, %mul3A_307 : i32
      %run_scoped3A = arith.constant 2 : i32
      "tpu.region"() ({
        %run_scoped3A_309 = tpu.sem_alloc : memref<!tpu.dma_semaphore, #tpu.memory_space<semaphore_mem>>
        %dma_start3A_310 = arith.constant 0 : i32
        %dma_start3A_311 = arith.constant 0 : i32
        %dma_start3A_312 = tpu.memref_slice %arg6[%run_scoped3A, %dma_start3A_310, %dma_start3A_311] : memref<3x128x128xf32, #tpu.memory_space<vmem>> -> memref<1x80x128xf32, #tpu.memory_space<vmem>>
        %dma_start3A_313 = tpu.memref_squeeze %dma_start3A_312 : memref<1x80x128xf32, #tpu.memory_space<vmem>> -> memref<80x128xf32, #tpu.memory_space<vmem>>
        %dma_start3A_314 = arith.constant 0 : i32
        %dma_start3A_315 = tpu.memref_slice %arg7[%mul3A_308, %dma_start3A_314] : memref<10000x128xf32, #tpu.memory_space<vmem_shared>> -> memref<80x128xf32, #tpu.memory_space<vmem_shared>>
        %dma_start3A_316 = arith.constant 0 : i32
        %dma_start3A_317 = tpu.memref_slice %arg7[%mul3A_308, %dma_start3A_316] : memref<10000x128xf32, #tpu.memory_space<vmem_shared>> -> memref<80x128xf32, #tpu.memory_space<vmem_shared>>
        %dma_start3A_318 = arith.constant 0 : i32
        %dma_start3A_319 = arith.constant 0 : i32
        %dma_start3A_320 = tpu.memref_slice %arg6[%run_scoped3A, %dma_start3A_318, %dma_start3A_319] : memref<3x128x128xf32, #tpu.memory_space<vmem>> -> memref<1x80x128xf32, #tpu.memory_space<vmem>>
        %dma_start3A_321 = tpu.memref_squeeze %dma_start3A_320 : memref<1x80x128xf32, #tpu.memory_space<vmem>> -> memref<80x128xf32, #tpu.memory_space<vmem>>
        tpu.enqueue_dma source(%dma_start3A_321 : memref<80x128xf32, #tpu.memory_space<vmem>>) target(%dma_start3A_317 : memref<80x128xf32, #tpu.memory_space<vmem_shared>>) target_semaphore(%run_scoped3A_309 : memref<!tpu.dma_semaphore, #tpu.memory_space<semaphore_mem>>)
        %dma_wait3A_322 = arith.constant 0 : i32
        %dma_wait3A_323 = arith.constant 0 : i32
        %dma_wait3A_324 = tpu.memref_slice %arg6[%run_scoped3A, %dma_wait3A_322, %dma_wait3A_323] : memref<3x128x128xf32, #tpu.memory_space<vmem>> -> memref<1x80x128xf32, #tpu.memory_space<vmem>>
        %dma_wait3A_325 = tpu.memref_squeeze %dma_wait3A_324 : memref<1x80x128xf32, #tpu.memory_space<vmem>> -> memref<80x128xf32, #tpu.memory_space<vmem>>
        %dma_wait3A_326 = arith.constant 0 : i32
        %dma_wait3A_327 = tpu.memref_slice %arg7[%mul3A_308, %dma_wait3A_326] : memref<10000x128xf32, #tpu.memory_space<vmem_shared>> -> memref<80x128xf32, #tpu.memory_space<vmem_shared>>
        %dma_wait3A_328 = arith.constant 0 : i32
        %dma_wait3A_329 = tpu.memref_slice %arg7[%mul3A_308, %dma_wait3A_328] : memref<10000x128xf32, #tpu.memory_space<vmem_shared>> -> memref<80x128xf32, #tpu.memory_space<vmem_shared>>
        %dma_wait3A_330 = arith.constant 0 : i32
        %dma_wait3A_331 = arith.constant 0 : i32
        %dma_wait3A_332 = tpu.memref_slice %arg6[%run_scoped3A, %dma_wait3A_330, %dma_wait3A_331] : memref<3x128x128xf32, #tpu.memory_space<vmem>> -> memref<1x80x128xf32, #tpu.memory_space<vmem>>
        %dma_wait3A_333 = tpu.memref_squeeze %dma_wait3A_332 : memref<1x80x128xf32, #tpu.memory_space<vmem>> -> memref<80x128xf32, #tpu.memory_space<vmem>>
        tpu.wait_dma2 semaphore(%run_scoped3A_309 : memref<!tpu.dma_semaphore, #tpu.memory_space<semaphore_mem>>) src(%dma_wait3A_333 : memref<80x128xf32, #tpu.memory_space<vmem>>) dst(%dma_wait3A_329 : memref<80x128xf32, #tpu.memory_space<vmem_shared>>)
        tpu.yield
      }) : () -> ()
    } else {
    }
    %mul3A_117 = arith.constant 8 : i32
    %mul3A_118 = arith.muli %arg1, %mul3A_117 : i32
    %add3A_119 = arith.constant 5 : i32
    %add3A_120 = arith.addi %mul3A_118, %add3A_119 : i32
    %lt3A_121 = arith.constant 125 : i32
    %lt3A_122 = arith.cmpi slt, %add3A_120, %lt3A_121 : i32
    %convert_element_type3A_123 = arith.extui %lt3A_122 : i1 to i32
    %cond3A_124 = arith.constant 0 : i32
    %cond3A_125 = arith.cmpi ne, %convert_element_type3A_123, %cond3A_124 : i32
    scf.if %cond3A_125 {
      %mul3A_307 = arith.constant 80 : i32
      %mul3A_308 = arith.muli %add3A_120, %mul3A_307 : i32
      %run_scoped3A = arith.constant 2 : i32
      "tpu.region"() ({
        %run_scoped3A_309 = tpu.sem_alloc : memref<!tpu.dma_semaphore, #tpu.memory_space<semaphore_mem>>
        %dma_start3A_310 = arith.constant 0 : i32
        %dma_start3A_311 = arith.constant 0 : i32
        %dma_start3A_312 = tpu.memref_slice %arg6[%run_scoped3A, %dma_start3A_310, %dma_start3A_311] : memref<3x128x128xf32, #tpu.memory_space<vmem>> -> memref<1x80x128xf32, #tpu.memory_space<vmem>>
        %dma_start3A_313 = tpu.memref_squeeze %dma_start3A_312 : memref<1x80x128xf32, #tpu.memory_space<vmem>> -> memref<80x128xf32, #tpu.memory_space<vmem>>
        %dma_start3A_314 = arith.constant 0 : i32
        %dma_start3A_315 = tpu.memref_slice %arg7[%mul3A_308, %dma_start3A_314] : memref<10000x128xf32, #tpu.memory_space<vmem_shared>> -> memref<80x128xf32, #tpu.memory_space<vmem_shared>>
        %dma_start3A_316 = arith.constant 0 : i32
        %dma_start3A_317 = tpu.memref_slice %arg7[%mul3A_308, %dma_start3A_316] : memref<10000x128xf32, #tpu.memory_space<vmem_shared>> -> memref<80x128xf32, #tpu.memory_space<vmem_shared>>
        %dma_start3A_318 = arith.constant 0 : i32
        %dma_start3A_319 = arith.constant 0 : i32
        %dma_start3A_320 = tpu.memref_slice %arg6[%run_scoped3A, %dma_start3A_318, %dma_start3A_319] : memref<3x128x128xf32, #tpu.memory_space<vmem>> -> memref<1x80x128xf32, #tpu.memory_space<vmem>>
        %dma_start3A_321 = tpu.memref_squeeze %dma_start3A_320 : memref<1x80x128xf32, #tpu.memory_space<vmem>> -> memref<80x128xf32, #tpu.memory_space<vmem>>
        tpu.enqueue_dma source(%dma_start3A_321 : memref<80x128xf32, #tpu.memory_space<vmem>>) target(%dma_start3A_317 : memref<80x128xf32, #tpu.memory_space<vmem_shared>>) target_semaphore(%run_scoped3A_309 : memref<!tpu.dma_semaphore, #tpu.memory_space<semaphore_mem>>)
        %dma_wait3A_322 = arith.constant 0 : i32
        %dma_wait3A_323 = arith.constant 0 : i32
        %dma_wait3A_324 = tpu.memref_slice %arg6[%run_scoped3A, %dma_wait3A_322, %dma_wait3A_323] : memref<3x128x128xf32, #tpu.memory_space<vmem>> -> memref<1x80x128xf32, #tpu.memory_space<vmem>>
        %dma_wait3A_325 = tpu.memref_squeeze %dma_wait3A_324 : memref<1x80x128xf32, #tpu.memory_space<vmem>> -> memref<80x128xf32, #tpu.memory_space<vmem>>
        %dma_wait3A_326 = arith.constant 0 : i32
        %dma_wait3A_327 = tpu.memref_slice %arg7[%mul3A_308, %dma_wait3A_326] : memref<10000x128xf32, #tpu.memory_space<vmem_shared>> -> memref<80x128xf32, #tpu.memory_space<vmem_shared>>
        %dma_wait3A_328 = arith.constant 0 : i32
        %dma_wait3A_329 = tpu.memref_slice %arg7[%mul3A_308, %dma_wait3A_328] : memref<10000x128xf32, #tpu.memory_space<vmem_shared>> -> memref<80x128xf32, #tpu.memory_space<vmem_shared>>
        %dma_wait3A_330 = arith.constant 0 : i32
        %dma_wait3A_331 = arith.constant 0 : i32
        %dma_wait3A_332 = tpu.memref_slice %arg6[%run_scoped3A, %dma_wait3A_330, %dma_wait3A_331] : memref<3x128x128xf32, #tpu.memory_space<vmem>> -> memref<1x80x128xf32, #tpu.memory_space<vmem>>
        %dma_wait3A_333 = tpu.memref_squeeze %dma_wait3A_332 : memref<1x80x128xf32, #tpu.memory_space<vmem>> -> memref<80x128xf32, #tpu.memory_space<vmem>>
        tpu.wait_dma2 semaphore(%run_scoped3A_309 : memref<!tpu.dma_semaphore, #tpu.memory_space<semaphore_mem>>) src(%dma_wait3A_333 : memref<80x128xf32, #tpu.memory_space<vmem>>) dst(%dma_wait3A_329 : memref<80x128xf32, #tpu.memory_space<vmem_shared>>)
        tpu.yield
      }) : () -> ()
    } else {
    }
    %mul3A_126 = arith.constant 8 : i32
    %mul3A_127 = arith.muli %arg1, %mul3A_126 : i32
    %add3A_128 = arith.constant 6 : i32
    %add3A_129 = arith.addi %mul3A_127, %add3A_128 : i32
    %lt3A_130 = arith.constant 125 : i32
    %lt3A_131 = arith.cmpi slt, %add3A_129, %lt3A_130 : i32
    %convert_element_type3A_132 = arith.extui %lt3A_131 : i1 to i32
    %cond3A_133 = arith.constant 0 : i32
    %cond3A_134 = arith.cmpi ne, %convert_element_type3A_132, %cond3A_133 : i32
    scf.if %cond3A_134 {
      %mul3A_307 = arith.constant 80 : i32
      %mul3A_308 = arith.muli %add3A_129, %mul3A_307 : i32
      %run_scoped3A = arith.constant 2 : i32
      "tpu.region"() ({
        %run_scoped3A_309 = tpu.sem_alloc : memref<!tpu.dma_semaphore, #tpu.memory_space<semaphore_mem>>
        %dma_start3A_310 = arith.constant 0 : i32
        %dma_start3A_311 = arith.constant 0 : i32
        %dma_start3A_312 = tpu.memref_slice %arg6[%run_scoped3A, %dma_start3A_310, %dma_start3A_311] : memref<3x128x128xf32, #tpu.memory_space<vmem>> -> memref<1x80x128xf32, #tpu.memory_space<vmem>>
        %dma_start3A_313 = tpu.memref_squeeze %dma_start3A_312 : memref<1x80x128xf32, #tpu.memory_space<vmem>> -> memref<80x128xf32, #tpu.memory_space<vmem>>
        %dma_start3A_314 = arith.constant 0 : i32
        %dma_start3A_315 = tpu.memref_slice %arg7[%mul3A_308, %dma_start3A_314] : memref<10000x128xf32, #tpu.memory_space<vmem_shared>> -> memref<80x128xf32, #tpu.memory_space<vmem_shared>>
        %dma_start3A_316 = arith.constant 0 : i32
        %dma_start3A_317 = tpu.memref_slice %arg7[%mul3A_308, %dma_start3A_316] : memref<10000x128xf32, #tpu.memory_space<vmem_shared>> -> memref<80x128xf32, #tpu.memory_space<vmem_shared>>
        %dma_start3A_318 = arith.constant 0 : i32
        %dma_start3A_319 = arith.constant 0 : i32
        %dma_start3A_320 = tpu.memref_slice %arg6[%run_scoped3A, %dma_start3A_318, %dma_start3A_319] : memref<3x128x128xf32, #tpu.memory_space<vmem>> -> memref<1x80x128xf32, #tpu.memory_space<vmem>>
        %dma_start3A_321 = tpu.memref_squeeze %dma_start3A_320 : memref<1x80x128xf32, #tpu.memory_space<vmem>> -> memref<80x128xf32, #tpu.memory_space<vmem>>
        tpu.enqueue_dma source(%dma_start3A_321 : memref<80x128xf32, #tpu.memory_space<vmem>>) target(%dma_start3A_317 : memref<80x128xf32, #tpu.memory_space<vmem_shared>>) target_semaphore(%run_scoped3A_309 : memref<!tpu.dma_semaphore, #tpu.memory_space<semaphore_mem>>)
        %dma_wait3A_322 = arith.constant 0 : i32
        %dma_wait3A_323 = arith.constant 0 : i32
        %dma_wait3A_324 = tpu.memref_slice %arg6[%run_scoped3A, %dma_wait3A_322, %dma_wait3A_323] : memref<3x128x128xf32, #tpu.memory_space<vmem>> -> memref<1x80x128xf32, #tpu.memory_space<vmem>>
        %dma_wait3A_325 = tpu.memref_squeeze %dma_wait3A_324 : memref<1x80x128xf32, #tpu.memory_space<vmem>> -> memref<80x128xf32, #tpu.memory_space<vmem>>
        %dma_wait3A_326 = arith.constant 0 : i32
        %dma_wait3A_327 = tpu.memref_slice %arg7[%mul3A_308, %dma_wait3A_326] : memref<10000x128xf32, #tpu.memory_space<vmem_shared>> -> memref<80x128xf32, #tpu.memory_space<vmem_shared>>
        %dma_wait3A_328 = arith.constant 0 : i32
        %dma_wait3A_329 = tpu.memref_slice %arg7[%mul3A_308, %dma_wait3A_328] : memref<10000x128xf32, #tpu.memory_space<vmem_shared>> -> memref<80x128xf32, #tpu.memory_space<vmem_shared>>
        %dma_wait3A_330 = arith.constant 0 : i32
        %dma_wait3A_331 = arith.constant 0 : i32
        %dma_wait3A_332 = tpu.memref_slice %arg6[%run_scoped3A, %dma_wait3A_330, %dma_wait3A_331] : memref<3x128x128xf32, #tpu.memory_space<vmem>> -> memref<1x80x128xf32, #tpu.memory_space<vmem>>
        %dma_wait3A_333 = tpu.memref_squeeze %dma_wait3A_332 : memref<1x80x128xf32, #tpu.memory_space<vmem>> -> memref<80x128xf32, #tpu.memory_space<vmem>>
        tpu.wait_dma2 semaphore(%run_scoped3A_309 : memref<!tpu.dma_semaphore, #tpu.memory_space<semaphore_mem>>) src(%dma_wait3A_333 : memref<80x128xf32, #tpu.memory_space<vmem>>) dst(%dma_wait3A_329 : memref<80x128xf32, #tpu.memory_space<vmem_shared>>)
        tpu.yield
      }) : () -> ()
    } else {
    }
    %mul3A_135 = arith.constant 8 : i32
    %mul3A_136 = arith.muli %arg1, %mul3A_135 : i32
    %add3A_137 = arith.constant 7 : i32
    %add3A_138 = arith.addi %mul3A_136, %add3A_137 : i32
    %lt3A_139 = arith.constant 125 : i32
    %lt3A_140 = arith.cmpi slt, %add3A_138, %lt3A_139 : i32
    %convert_element_type3A_141 = arith.extui %lt3A_140 : i1 to i32
    %cond3A_142 = arith.constant 0 : i32
    %cond3A_143 = arith.cmpi ne, %convert_element_type3A_141, %cond3A_142 : i32
    scf.if %cond3A_143 {
      %mul3A_307 = arith.constant 80 : i32
      %mul3A_308 = arith.muli %add3A_138, %mul3A_307 : i32
      %run_scoped3A = arith.constant 2 : i32
      "tpu.region"() ({
        %run_scoped3A_309 = tpu.sem_alloc : memref<!tpu.dma_semaphore, #tpu.memory_space<semaphore_mem>>
        %dma_start3A_310 = arith.constant 0 : i32
        %dma_start3A_311 = arith.constant 0 : i32
        %dma_start3A_312 = tpu.memref_slice %arg6[%run_scoped3A, %dma_start3A_310, %dma_start3A_311] : memref<3x128x128xf32, #tpu.memory_space<vmem>> -> memref<1x80x128xf32, #tpu.memory_space<vmem>>
        %dma_start3A_313 = tpu.memref_squeeze %dma_start3A_312 : memref<1x80x128xf32, #tpu.memory_space<vmem>> -> memref<80x128xf32, #tpu.memory_space<vmem>>
        %dma_start3A_314 = arith.constant 0 : i32
        %dma_start3A_315 = tpu.memref_slice %arg7[%mul3A_308, %dma_start3A_314] : memref<10000x128xf32, #tpu.memory_space<vmem_shared>> -> memref<80x128xf32, #tpu.memory_space<vmem_shared>>
        %dma_start3A_316 = arith.constant 0 : i32
        %dma_start3A_317 = tpu.memref_slice %arg7[%mul3A_308, %dma_start3A_316] : memref<10000x128xf32, #tpu.memory_space<vmem_shared>> -> memref<80x128xf32, #tpu.memory_space<vmem_shared>>
        %dma_start3A_318 = arith.constant 0 : i32
        %dma_start3A_319 = arith.constant 0 : i32
        %dma_start3A_320 = tpu.memref_slice %arg6[%run_scoped3A, %dma_start3A_318, %dma_start3A_319] : memref<3x128x128xf32, #tpu.memory_space<vmem>> -> memref<1x80x128xf32, #tpu.memory_space<vmem>>
        %dma_start3A_321 = tpu.memref_squeeze %dma_start3A_320 : memref<1x80x128xf32, #tpu.memory_space<vmem>> -> memref<80x128xf32, #tpu.memory_space<vmem>>
        tpu.enqueue_dma source(%dma_start3A_321 : memref<80x128xf32, #tpu.memory_space<vmem>>) target(%dma_start3A_317 : memref<80x128xf32, #tpu.memory_space<vmem_shared>>) target_semaphore(%run_scoped3A_309 : memref<!tpu.dma_semaphore, #tpu.memory_space<semaphore_mem>>)
        %dma_wait3A_322 = arith.constant 0 : i32
        %dma_wait3A_323 = arith.constant 0 : i32
        %dma_wait3A_324 = tpu.memref_slice %arg6[%run_scoped3A, %dma_wait3A_322, %dma_wait3A_323] : memref<3x128x128xf32, #tpu.memory_space<vmem>> -> memref<1x80x128xf32, #tpu.memory_space<vmem>>
        %dma_wait3A_325 = tpu.memref_squeeze %dma_wait3A_324 : memref<1x80x128xf32, #tpu.memory_space<vmem>> -> memref<80x128xf32, #tpu.memory_space<vmem>>
        %dma_wait3A_326 = arith.constant 0 : i32
        %dma_wait3A_327 = tpu.memref_slice %arg7[%mul3A_308, %dma_wait3A_326] : memref<10000x128xf32, #tpu.memory_space<vmem_shared>> -> memref<80x128xf32, #tpu.memory_space<vmem_shared>>
        %dma_wait3A_328 = arith.constant 0 : i32
        %dma_wait3A_329 = tpu.memref_slice %arg7[%mul3A_308, %dma_wait3A_328] : memref<10000x128xf32, #tpu.memory_space<vmem_shared>> -> memref<80x128xf32, #tpu.memory_space<vmem_shared>>
        %dma_wait3A_330 = arith.constant 0 : i32
        %dma_wait3A_331 = arith.constant 0 : i32
        %dma_wait3A_332 = tpu.memref_slice %arg6[%run_scoped3A, %dma_wait3A_330, %dma_wait3A_331] : memref<3x128x128xf32, #tpu.memory_space<vmem>> -> memref<1x80x128xf32, #tpu.memory_space<vmem>>
        %dma_wait3A_333 = tpu.memref_squeeze %dma_wait3A_332 : memref<1x80x128xf32, #tpu.memory_space<vmem>> -> memref<80x128xf32, #tpu.memory_space<vmem>>
        tpu.wait_dma2 semaphore(%run_scoped3A_309 : memref<!tpu.dma_semaphore, #tpu.memory_space<semaphore_mem>>) src(%dma_wait3A_333 : memref<80x128xf32, #tpu.memory_space<vmem>>) dst(%dma_wait3A_329 : memref<80x128xf32, #tpu.memory_space<vmem_shared>>)
        tpu.yield
      }) : () -> ()
    } else {
    }
    %dma_wait3A = arith.constant 0 : i32
    %dma_wait3A_144 = arith.constant 0 : i32
    %dma_wait3A_145 = arith.constant 0 : i32
    %dma_wait3A_146 = arith.constant 0 : i32
    %dma_wait3A_147 = tpu.memref_slice %arg5[%dma_wait3A, %dma_wait3A_145, %dma_wait3A_146] : memref<4x2x128xi32, #tpu.memory_space<vmem>> -> memref<1x2x128xi32, #tpu.memory_space<vmem>>
    %dma_wait3A_148 = tpu.memref_squeeze %dma_wait3A_147 : memref<1x2x128xi32, #tpu.memory_space<vmem>> -> memref<2x128xi32, #tpu.memory_space<vmem>>
    %dma_wait3A_149 = arith.constant 0 : i32
    %dma_wait3A_150 = arith.constant 0 : i32
    %dma_wait3A_151 = tpu.memref_slice %arg3[%dma_wait3A_149, %dma_wait3A_150] : memref<2x320000xi32, #tpu.memory_space<hbm>> -> memref<2x128xi32, #tpu.memory_space<hbm>>
    %dma_wait3A_152 = tpu.memref_slice %arg10[%dma_wait3A_144] : memref<4x!tpu.dma_semaphore, #tpu.memory_space<semaphore_mem>> -> memref<1x!tpu.dma_semaphore, #tpu.memory_space<semaphore_mem>>
    %dma_wait3A_153 = tpu.memref_squeeze %dma_wait3A_152 : memref<1x!tpu.dma_semaphore, #tpu.memory_space<semaphore_mem>> -> memref<!tpu.dma_semaphore, #tpu.memory_space<semaphore_mem>>
    %dma_wait3A_154 = arith.constant 0 : i32
    %dma_wait3A_155 = arith.constant 0 : i32
    %dma_wait3A_156 = tpu.memref_slice %arg5[%dma_wait3A, %dma_wait3A_154, %dma_wait3A_155] : memref<4x2x128xi32, #tpu.memory_space<vmem>> -> memref<1x2x128xi32, #tpu.memory_space<vmem>>
    %dma_wait3A_157 = tpu.memref_squeeze %dma_wait3A_156 : memref<1x2x128xi32, #tpu.memory_space<vmem>> -> memref<2x128xi32, #tpu.memory_space<vmem>>
    %dma_wait3A_158 = arith.constant 0 : i32
    %dma_wait3A_159 = arith.constant 0 : i32
    %dma_wait3A_160 = tpu.memref_slice %arg3[%dma_wait3A_158, %dma_wait3A_159] : memref<2x320000xi32, #tpu.memory_space<hbm>> -> memref<2x128xi32, #tpu.memory_space<hbm>>
    tpu.wait_dma2 semaphore(%dma_wait3A_153 : memref<!tpu.dma_semaphore, #tpu.memory_space<semaphore_mem>>) src(%dma_wait3A_160 : memref<2x128xi32, #tpu.memory_space<hbm>>) dst(%dma_wait3A_157 : memref<2x128xi32, #tpu.memory_space<vmem>>)
    %dma_start3A_161 = arith.constant 0 : i32
    %dma_start3A_162 = arith.constant 0 : i32
    %dma_start3A_163 = arith.constant 0 : i32
    %dma_start3A_164 = arith.constant 0 : i32
    %dma_start3A_165 = arith.constant 0 : i32
    %dma_start3A_166 = arith.constant 0 : i32
    %dma_start3A_167 = tpu.memref_slice %arg6[%dma_start3A_163, %dma_start3A_165, %dma_start3A_166] : memref<3x128x128xf32, #tpu.memory_space<vmem>> -> memref<1x128x128xf32, #tpu.memory_space<vmem>>
    %dma_start3A_168 = tpu.memref_squeeze %dma_start3A_167 : memref<1x128x128xf32, #tpu.memory_space<vmem>> -> memref<128x128xf32, #tpu.memory_space<vmem>>
    %dma_start3A_169 = arith.constant 0 : i32
    %dma_start3A_170 = tpu.memref_slice %arg5[%dma_start3A_161, %dma_start3A_162, %dma_start3A_169] : memref<4x2x128xi32, #tpu.memory_space<vmem>> -> memref<1x1x128xi32, #tpu.memory_space<vmem>>
    %dma_start3A_171 = tpu.memref_squeeze %dma_start3A_170 : memref<1x1x128xi32, #tpu.memory_space<vmem>> -> memref<128xi32, #tpu.memory_space<vmem>>
    %dma_start3A_172 = arith.constant 0 : i32
    %dma_start3A_173 = arith.constant 0 : i32
    %dma_start3A_174 = tpu.memref_slice %arg2[%dma_start3A_172, %dma_start3A_173] : memref<10000x128xf32, #tpu.memory_space<hbm>> -> memref<10000x128xf32, #tpu.memory_space<hbm>>
    %dma_start3A_175 = tpu.memref_slice %arg8[%dma_start3A_164] : memref<3x!tpu.dma_semaphore, #tpu.memory_space<semaphore_mem>> -> memref<1x!tpu.dma_semaphore, #tpu.memory_space<semaphore_mem>>
    %dma_start3A_176 = tpu.memref_squeeze %dma_start3A_175 : memref<1x!tpu.dma_semaphore, #tpu.memory_space<semaphore_mem>> -> memref<!tpu.dma_semaphore, #tpu.memory_space<semaphore_mem>>
    tpu.enqueue_indirect_dma source(%dma_start3A_174 : memref<10000x128xf32, #tpu.memory_space<hbm>>) target(%dma_start3A_168 : memref<128x128xf32, #tpu.memory_space<vmem>>) offsets(%dma_start3A_171 : memref<128xi32, #tpu.memory_space<vmem>>) semaphore(%dma_start3A_176 : memref<!tpu.dma_semaphore, #tpu.memory_space<semaphore_mem>>)
    %dma_wait3A_177 = arith.constant 1 : i32
    %dma_wait3A_178 = arith.constant 1 : i32
    %dma_wait3A_179 = arith.constant 0 : i32
    %dma_wait3A_180 = arith.constant 0 : i32
    %dma_wait3A_181 = tpu.memref_slice %arg5[%dma_wait3A_177, %dma_wait3A_179, %dma_wait3A_180] : memref<4x2x128xi32, #tpu.memory_space<vmem>> -> memref<1x2x128xi32, #tpu.memory_space<vmem>>
    %dma_wait3A_182 = tpu.memref_squeeze %dma_wait3A_181 : memref<1x2x128xi32, #tpu.memory_space<vmem>> -> memref<2x128xi32, #tpu.memory_space<vmem>>
    %dma_wait3A_183 = arith.constant 0 : i32
    %dma_wait3A_184 = arith.constant 0 : i32
    %dma_wait3A_185 = tpu.memref_slice %arg3[%dma_wait3A_183, %dma_wait3A_184] : memref<2x320000xi32, #tpu.memory_space<hbm>> -> memref<2x128xi32, #tpu.memory_space<hbm>>
    %dma_wait3A_186 = tpu.memref_slice %arg10[%dma_wait3A_178] : memref<4x!tpu.dma_semaphore, #tpu.memory_space<semaphore_mem>> -> memref<1x!tpu.dma_semaphore, #tpu.memory_space<semaphore_mem>>
    %dma_wait3A_187 = tpu.memref_squeeze %dma_wait3A_186 : memref<1x!tpu.dma_semaphore, #tpu.memory_space<semaphore_mem>> -> memref<!tpu.dma_semaphore, #tpu.memory_space<semaphore_mem>>
    %dma_wait3A_188 = arith.constant 0 : i32
    %dma_wait3A_189 = arith.constant 0 : i32
    %dma_wait3A_190 = tpu.memref_slice %arg5[%dma_wait3A_177, %dma_wait3A_188, %dma_wait3A_189] : memref<4x2x128xi32, #tpu.memory_space<vmem>> -> memref<1x2x128xi32, #tpu.memory_space<vmem>>
    %dma_wait3A_191 = tpu.memref_squeeze %dma_wait3A_190 : memref<1x2x128xi32, #tpu.memory_space<vmem>> -> memref<2x128xi32, #tpu.memory_space<vmem>>
    %dma_wait3A_192 = arith.constant 0 : i32
    %dma_wait3A_193 = arith.constant 0 : i32
    %dma_wait3A_194 = tpu.memref_slice %arg3[%dma_wait3A_192, %dma_wait3A_193] : memref<2x320000xi32, #tpu.memory_space<hbm>> -> memref<2x128xi32, #tpu.memory_space<hbm>>
    tpu.wait_dma2 semaphore(%dma_wait3A_187 : memref<!tpu.dma_semaphore, #tpu.memory_space<semaphore_mem>>) src(%dma_wait3A_194 : memref<2x128xi32, #tpu.memory_space<hbm>>) dst(%dma_wait3A_191 : memref<2x128xi32, #tpu.memory_space<vmem>>)
    %dma_start3A_195 = arith.constant 1 : i32
    %dma_start3A_196 = arith.constant 0 : i32
    %dma_start3A_197 = arith.constant 1 : i32
    %dma_start3A_198 = arith.constant 1 : i32
    %dma_start3A_199 = arith.constant 0 : i32
    %dma_start3A_200 = arith.constant 0 : i32
    %dma_start3A_201 = tpu.memref_slice %arg6[%dma_start3A_197, %dma_start3A_199, %dma_start3A_200] : memref<3x128x128xf32, #tpu.memory_space<vmem>> -> memref<1x128x128xf32, #tpu.memory_space<vmem>>
    %dma_start3A_202 = tpu.memref_squeeze %dma_start3A_201 : memref<1x128x128xf32, #tpu.memory_space<vmem>> -> memref<128x128xf32, #tpu.memory_space<vmem>>
    %dma_start3A_203 = arith.constant 0 : i32
    %dma_start3A_204 = tpu.memref_slice %arg5[%dma_start3A_195, %dma_start3A_196, %dma_start3A_203] : memref<4x2x128xi32, #tpu.memory_space<vmem>> -> memref<1x1x128xi32, #tpu.memory_space<vmem>>
    %dma_start3A_205 = tpu.memref_squeeze %dma_start3A_204 : memref<1x1x128xi32, #tpu.memory_space<vmem>> -> memref<128xi32, #tpu.memory_space<vmem>>
    %dma_start3A_206 = arith.constant 0 : i32
    %dma_start3A_207 = arith.constant 0 : i32
    %dma_start3A_208 = tpu.memref_slice %arg2[%dma_start3A_206, %dma_start3A_207] : memref<10000x128xf32, #tpu.memory_space<hbm>> -> memref<10000x128xf32, #tpu.memory_space<hbm>>
    %dma_start3A_209 = tpu.memref_slice %arg8[%dma_start3A_198] : memref<3x!tpu.dma_semaphore, #tpu.memory_space<semaphore_mem>> -> memref<1x!tpu.dma_semaphore, #tpu.memory_space<semaphore_mem>>
    %dma_start3A_210 = tpu.memref_squeeze %dma_start3A_209 : memref<1x!tpu.dma_semaphore, #tpu.memory_space<semaphore_mem>> -> memref<!tpu.dma_semaphore, #tpu.memory_space<semaphore_mem>>
    tpu.enqueue_indirect_dma source(%dma_start3A_208 : memref<10000x128xf32, #tpu.memory_space<hbm>>) target(%dma_start3A_202 : memref<128x128xf32, #tpu.memory_space<vmem>>) offsets(%dma_start3A_205 : memref<128xi32, #tpu.memory_space<vmem>>) semaphore(%dma_start3A_210 : memref<!tpu.dma_semaphore, #tpu.memory_space<semaphore_mem>>)
    %barrier3A = arith.constant 0 : index
    tpu.barrier barrier_id(%barrier3A)
    %while3A = arith.constant 0 : i32
    %while3A_211 = arith.constant 0 : i32
    %while3A_212 = arith.subi %add3A_8, %while3A : i32
    %while3A_213 = arith.addi %while3A, %while3A_212 : i32
    %while3A_214 = arith.constant 1 : i32
    %while3A_215 = arith.divsi %while3A_212, %while3A_214 : i32
    %while3A_216 = arith.muli %while3A_215, %while3A_214 : i32
    %while3A_217 = arith.addi %while3A, %while3A_216 : i32
    %while3A_218 = arith.constant 1 : i32
    %while3A_219 = scf.for %while3A_307 = %while3A to %while3A_217 step %while3A_218 iter_args(%while3A_308 = %while3A_211) -> (i32)  : i32 {
      %jit3A_309 = arith.constant 3 : i32
      %eq3A = arith.constant 0 : i32
      %eq3A_310 = arith.cmpi eq, %jit3A_309, %eq3A : i32
      %jit3A_311 = arith.constant 1 : i32
      %select_n3A_312 = arith.select %eq3A_310, %jit3A_311, %jit3A_309 : i32
      %rem3A = arith.remsi %while3A_307, %select_n3A_312 : i32
      %ne3A = arith.constant 0 : i32
      %ne3A_313 = arith.cmpi ne, %rem3A, %ne3A : i32
      %lt3A_314 = arith.constant 0 : i32
      %lt3A_315 = arith.cmpi slt, %rem3A, %lt3A_314 : i32
      %lt3A_316 = arith.constant 0 : i32
      %lt3A_317 = arith.cmpi slt, %select_n3A_312, %lt3A_316 : i32
      %ne3A_318 = arith.xori %lt3A_315, %lt3A_317 : i1
      %and3A = arith.andi %ne3A_318, %ne3A_313 : i1
      %add3A_319 = arith.addi %rem3A, %select_n3A_312 : i32
      %select_n3A_320 = arith.select %and3A, %add3A_319, %rem3A : i32
      %jit3A_321 = arith.constant 3 : i32
      %eq3A_322 = arith.constant 0 : i32
      %eq3A_323 = arith.cmpi eq, %jit3A_321, %eq3A_322 : i32
      %jit3A_324 = arith.constant 1 : i32
      %select_n3A_325 = arith.select %eq3A_323, %jit3A_324, %jit3A_321 : i32
      %rem3A_326 = arith.remsi %while3A_307, %select_n3A_325 : i32
      %ne3A_327 = arith.constant 0 : i32
      %ne3A_328 = arith.cmpi ne, %rem3A_326, %ne3A_327 : i32
      %lt3A_329 = arith.constant 0 : i32
      %lt3A_330 = arith.cmpi slt, %rem3A_326, %lt3A_329 : i32
      %lt3A_331 = arith.constant 0 : i32
      %lt3A_332 = arith.cmpi slt, %select_n3A_325, %lt3A_331 : i32
      %ne3A_333 = arith.xori %lt3A_330, %lt3A_332 : i1
      %and3A_334 = arith.andi %ne3A_333, %ne3A_328 : i1
      %add3A_335 = arith.addi %rem3A_326, %select_n3A_325 : i32
      %select_n3A_336 = arith.select %and3A_334, %add3A_335, %rem3A_326 : i32
      %dma_wait3A_337 = arith.constant 0 : i32
      %dma_wait3A_338 = arith.constant 0 : i32
      %dma_wait3A_339 = tpu.memref_slice %arg6[%select_n3A_320, %dma_wait3A_337, %dma_wait3A_338] : memref<3x128x128xf32, #tpu.memory_space<vmem>> -> memref<1x128x128xf32, #tpu.memory_space<vmem>>
      %dma_wait3A_340 = tpu.memref_squeeze %dma_wait3A_339 : memref<1x128x128xf32, #tpu.memory_space<vmem>> -> memref<128x128xf32, #tpu.memory_space<vmem>>
      %dma_wait3A_341 = arith.constant 0 : i32
      %dma_wait3A_342 = arith.constant 0 : i32
      %dma_wait3A_343 = tpu.memref_slice %arg2[%dma_wait3A_341, %dma_wait3A_342] : memref<10000x128xf32, #tpu.memory_space<hbm>> -> memref<128x128xf32, #tpu.memory_space<hbm>>
      %dma_wait3A_344 = tpu.memref_slice %arg8[%select_n3A_336] : memref<3x!tpu.dma_semaphore, #tpu.memory_space<semaphore_mem>> -> memref<1x!tpu.dma_semaphore, #tpu.memory_space<semaphore_mem>>
      %dma_wait3A_345 = tpu.memref_squeeze %dma_wait3A_344 : memref<1x!tpu.dma_semaphore, #tpu.memory_space<semaphore_mem>> -> memref<!tpu.dma_semaphore, #tpu.memory_space<semaphore_mem>>
      %dma_wait3A_346 = arith.constant 0 : i32
      %dma_wait3A_347 = arith.constant 0 : i32
      %dma_wait3A_348 = tpu.memref_slice %arg6[%select_n3A_320, %dma_wait3A_346, %dma_wait3A_347] : memref<3x128x128xf32, #tpu.memory_space<vmem>> -> memref<1x128x128xf32, #tpu.memory_space<vmem>>
      %dma_wait3A_349 = tpu.memref_squeeze %dma_wait3A_348 : memref<1x128x128xf32, #tpu.memory_space<vmem>> -> memref<128x128xf32, #tpu.memory_space<vmem>>
      %dma_wait3A_350 = arith.constant 0 : i32
      %dma_wait3A_351 = arith.constant 0 : i32
      %dma_wait3A_352 = tpu.memref_slice %arg2[%dma_wait3A_350, %dma_wait3A_351] : memref<10000x128xf32, #tpu.memory_space<hbm>> -> memref<128x128xf32, #tpu.memory_space<hbm>>
      tpu.wait_dma2 semaphore(%dma_wait3A_345 : memref<!tpu.dma_semaphore, #tpu.memory_space<semaphore_mem>>) src(%dma_wait3A_352 : memref<128x128xf32, #tpu.memory_space<hbm>>) dst(%dma_wait3A_349 : memref<128x128xf32, #tpu.memory_space<vmem>>)
      %jit3A_353 = arith.constant 3 : i32
      %eq3A_354 = arith.constant 0 : i32
      %eq3A_355 = arith.cmpi eq, %jit3A_353, %eq3A_354 : i32
      %jit3A_356 = arith.constant 1 : i32
      %select_n3A_357 = arith.select %eq3A_355, %jit3A_356, %jit3A_353 : i32
      %rem3A_358 = arith.remsi %while3A_307, %select_n3A_357 : i32
      %ne3A_359 = arith.constant 0 : i32
      %ne3A_360 = arith.cmpi ne, %rem3A_358, %ne3A_359 : i32
      %lt3A_361 = arith.constant 0 : i32
      %lt3A_362 = arith.cmpi slt, %rem3A_358, %lt3A_361 : i32
      %lt3A_363 = arith.constant 0 : i32
      %lt3A_364 = arith.cmpi slt, %select_n3A_357, %lt3A_363 : i32
      %ne3A_365 = arith.xori %lt3A_362, %lt3A_364 : i1
      %and3A_366 = arith.andi %ne3A_365, %ne3A_360 : i1
      %add3A_367 = arith.addi %rem3A_358, %select_n3A_357 : i32
      %select_n3A_368 = arith.select %and3A_366, %add3A_367, %rem3A_358 : i32
      %jit3A_369 = arith.constant 4 : i32
      %eq3A_370 = arith.constant 0 : i32
      %eq3A_371 = arith.cmpi eq, %jit3A_369, %eq3A_370 : i32
      %jit3A_372 = arith.constant 1 : i32
      %select_n3A_373 = arith.select %eq3A_371, %jit3A_372, %jit3A_369 : i32
      %rem3A_374 = arith.remsi %while3A_307, %select_n3A_373 : i32
      %ne3A_375 = arith.constant 0 : i32
      %ne3A_376 = arith.cmpi ne, %rem3A_374, %ne3A_375 : i32
      %lt3A_377 = arith.constant 0 : i32
      %lt3A_378 = arith.cmpi slt, %rem3A_374, %lt3A_377 : i32
      %lt3A_379 = arith.constant 0 : i32
      %lt3A_380 = arith.cmpi slt, %select_n3A_373, %lt3A_379 : i32
      %ne3A_381 = arith.xori %lt3A_378, %lt3A_380 : i1
      %and3A_382 = arith.andi %ne3A_381, %ne3A_376 : i1
      %add3A_383 = arith.addi %rem3A_374, %select_n3A_373 : i32
      %select_n3A_384 = arith.select %and3A_382, %add3A_383, %rem3A_374 : i32
      %jit3A_385 = arith.constant 3 : i32
      %eq3A_386 = arith.constant 0 : i32
      %eq3A_387 = arith.cmpi eq, %jit3A_385, %eq3A_386 : i32
      %jit3A_388 = arith.constant 1 : i32
      %select_n3A_389 = arith.select %eq3A_387, %jit3A_388, %jit3A_385 : i32
      %rem3A_390 = arith.remsi %while3A_307, %select_n3A_389 : i32
      %ne3A_391 = arith.constant 0 : i32
      %ne3A_392 = arith.cmpi ne, %rem3A_390, %ne3A_391 : i32
      %lt3A_393 = arith.constant 0 : i32
      %lt3A_394 = arith.cmpi slt, %rem3A_390, %lt3A_393 : i32
      %lt3A_395 = arith.constant 0 : i32
      %lt3A_396 = arith.cmpi slt, %select_n3A_389, %lt3A_395 : i32
      %ne3A_397 = arith.xori %lt3A_394, %lt3A_396 : i1
      %and3A_398 = arith.andi %ne3A_397, %ne3A_392 : i1
      %add3A_399 = arith.addi %rem3A_390, %select_n3A_389 : i32
      %select_n3A_400 = arith.select %and3A_398, %add3A_399, %rem3A_390 : i32
      %dma_start3A_401 = arith.constant 1 : i32
      %dma_start3A_402 = arith.constant 0 : i32
      %dma_start3A_403 = arith.constant 0 : i32
      %dma_start3A_404 = tpu.memref_slice %arg6[%select_n3A_368, %dma_start3A_402, %dma_start3A_403] : memref<3x128x128xf32, #tpu.memory_space<vmem>> -> memref<1x128x128xf32, #tpu.memory_space<vmem>>
      %dma_start3A_405 = tpu.memref_squeeze %dma_start3A_404 : memref<1x128x128xf32, #tpu.memory_space<vmem>> -> memref<128x128xf32, #tpu.memory_space<vmem>>
      %dma_start3A_406 = arith.constant 0 : i32
      %dma_start3A_407 = tpu.memref_slice %arg5[%select_n3A_384, %dma_start3A_401, %dma_start3A_406] : memref<4x2x128xi32, #tpu.memory_space<vmem>> -> memref<1x1x128xi32, #tpu.memory_space<vmem>>
      %dma_start3A_408 = tpu.memref_squeeze %dma_start3A_407 : memref<1x1x128xi32, #tpu.memory_space<vmem>> -> memref<128xi32, #tpu.memory_space<vmem>>
      %dma_start3A_409 = arith.constant 0 : i32
      %dma_start3A_410 = arith.constant 0 : i32
      %dma_start3A_411 = tpu.memref_slice %arg7[%dma_start3A_409, %dma_start3A_410] : memref<10000x128xf32, #tpu.memory_space<vmem_shared>> -> memref<10000x128xf32, #tpu.memory_space<vmem_shared>>
      %dma_start3A_412 = tpu.memref_slice %arg9[%select_n3A_400] : memref<3x!tpu.dma_semaphore, #tpu.memory_space<semaphore_mem>> -> memref<1x!tpu.dma_semaphore, #tpu.memory_space<semaphore_mem>>
      %dma_start3A_413 = tpu.memref_squeeze %dma_start3A_412 : memref<1x!tpu.dma_semaphore, #tpu.memory_space<semaphore_mem>> -> memref<!tpu.dma_semaphore, #tpu.memory_space<semaphore_mem>>
      tpu.enqueue_indirect_dma source(%dma_start3A_405 : memref<128x128xf32, #tpu.memory_space<vmem>>) target(%dma_start3A_411 : memref<10000x128xf32, #tpu.memory_space<vmem_shared>>) offsets(%dma_start3A_408 : memref<128xi32, #tpu.memory_space<vmem>>) semaphore(%dma_start3A_413 : memref<!tpu.dma_semaphore, #tpu.memory_space<semaphore_mem>>) {add = true}
      %add3A_414 = arith.constant 3 : i32
      %add3A_415 = arith.addi %while3A_307, %add3A_414 : i32
      %sub3A_416 = arith.constant 1 : i32
      %sub3A_417 = arith.subi %add3A_415, %sub3A_416 : i32
      %lt3A_418 = arith.cmpi slt, %sub3A_417, %add3A_8 : i32
      %ge3A = arith.constant 1 : i32
      %ge3A_419 = arith.cmpi sge, %while3A_307, %ge3A : i32
      %and3A_420 = arith.andi %lt3A_418, %ge3A_419 : i1
      %convert_element_type3A_421 = arith.extui %and3A_420 : i1 to i32
      %cond3A_422 = arith.constant 0 : i32
      %cond3A_423 = arith.cmpi ne, %convert_element_type3A_421, %cond3A_422 : i32
      scf.if %cond3A_423 {
        %jit3A_435 = arith.constant 3 : i32
        %eq3A_436 = arith.constant 0 : i32
        %eq3A_437 = arith.cmpi eq, %jit3A_435, %eq3A_436 : i32
        %jit3A_438 = arith.constant 1 : i32
        %select_n3A_439 = arith.select %eq3A_437, %jit3A_438, %jit3A_435 : i32
        %rem3A_440 = arith.remsi %sub3A_417, %select_n3A_439 : i32
        %ne3A_441 = arith.constant 0 : i32
        %ne3A_442 = arith.cmpi ne, %rem3A_440, %ne3A_441 : i32
        %lt3A_443 = arith.constant 0 : i32
        %lt3A_444 = arith.cmpi slt, %rem3A_440, %lt3A_443 : i32
        %lt3A_445 = arith.constant 0 : i32
        %lt3A_446 = arith.cmpi slt, %select_n3A_439, %lt3A_445 : i32
        %ne3A_447 = arith.xori %lt3A_444, %lt3A_446 : i1
        %and3A_448 = arith.andi %ne3A_447, %ne3A_442 : i1
        %add3A_449 = arith.addi %rem3A_440, %select_n3A_439 : i32
        %select_n3A_450 = arith.select %and3A_448, %add3A_449, %rem3A_440 : i32
        %jit3A_451 = arith.constant 3 : i32
        %eq3A_452 = arith.constant 0 : i32
        %eq3A_453 = arith.cmpi eq, %jit3A_451, %eq3A_452 : i32
        %jit3A_454 = arith.constant 1 : i32
        %select_n3A_455 = arith.select %eq3A_453, %jit3A_454, %jit3A_451 : i32
        %rem3A_456 = arith.remsi %sub3A_417, %select_n3A_455 : i32
        %ne3A_457 = arith.constant 0 : i32
        %ne3A_458 = arith.cmpi ne, %rem3A_456, %ne3A_457 : i32
        %lt3A_459 = arith.constant 0 : i32
        %lt3A_460 = arith.cmpi slt, %rem3A_456, %lt3A_459 : i32
        %lt3A_461 = arith.constant 0 : i32
        %lt3A_462 = arith.cmpi slt, %select_n3A_455, %lt3A_461 : i32
        %ne3A_463 = arith.xori %lt3A_460, %lt3A_462 : i1
        %and3A_464 = arith.andi %ne3A_463, %ne3A_458 : i1
        %add3A_465 = arith.addi %rem3A_456, %select_n3A_455 : i32
        %select_n3A_466 = arith.select %and3A_464, %add3A_465, %rem3A_456 : i32
        %dma_wait3A_467 = arith.constant 0 : i32
        %dma_wait3A_468 = arith.constant 0 : i32
        %dma_wait3A_469 = tpu.memref_slice %arg6[%select_n3A_450, %dma_wait3A_467, %dma_wait3A_468] : memref<3x128x128xf32, #tpu.memory_space<vmem>> -> memref<1x128x128xf32, #tpu.memory_space<vmem>>
        %dma_wait3A_470 = tpu.memref_squeeze %dma_wait3A_469 : memref<1x128x128xf32, #tpu.memory_space<vmem>> -> memref<128x128xf32, #tpu.memory_space<vmem>>
        %dma_wait3A_471 = arith.constant 0 : i32
        %dma_wait3A_472 = arith.constant 0 : i32
        %dma_wait3A_473 = tpu.memref_slice %arg7[%dma_wait3A_471, %dma_wait3A_472] : memref<10000x128xf32, #tpu.memory_space<vmem_shared>> -> memref<128x128xf32, #tpu.memory_space<vmem_shared>>
        %dma_wait3A_474 = tpu.memref_slice %arg9[%select_n3A_466] : memref<3x!tpu.dma_semaphore, #tpu.memory_space<semaphore_mem>> -> memref<1x!tpu.dma_semaphore, #tpu.memory_space<semaphore_mem>>
        %dma_wait3A_475 = tpu.memref_squeeze %dma_wait3A_474 : memref<1x!tpu.dma_semaphore, #tpu.memory_space<semaphore_mem>> -> memref<!tpu.dma_semaphore, #tpu.memory_space<semaphore_mem>>
        %dma_wait3A_476 = arith.constant 0 : i32
        %dma_wait3A_477 = arith.constant 0 : i32
        %dma_wait3A_478 = tpu.memref_slice %arg7[%dma_wait3A_476, %dma_wait3A_477] : memref<10000x128xf32, #tpu.memory_space<vmem_shared>> -> memref<128x128xf32, #tpu.memory_space<vmem_shared>>
        %dma_wait3A_479 = arith.constant 0 : i32
        %dma_wait3A_480 = arith.constant 0 : i32
        %dma_wait3A_481 = tpu.memref_slice %arg6[%select_n3A_450, %dma_wait3A_479, %dma_wait3A_480] : memref<3x128x128xf32, #tpu.memory_space<vmem>> -> memref<1x128x128xf32, #tpu.memory_space<vmem>>
        %dma_wait3A_482 = tpu.memref_squeeze %dma_wait3A_481 : memref<1x128x128xf32, #tpu.memory_space<vmem>> -> memref<128x128xf32, #tpu.memory_space<vmem>>
        tpu.wait_dma2 semaphore(%dma_wait3A_475 : memref<!tpu.dma_semaphore, #tpu.memory_space<semaphore_mem>>) src(%dma_wait3A_482 : memref<128x128xf32, #tpu.memory_space<vmem>>) dst(%dma_wait3A_478 : memref<128x128xf32, #tpu.memory_space<vmem_shared>>)
      } else {
      }
      %lt3A_424 = arith.cmpi slt, %sub3A_417, %add3A_8 : i32
      %convert_element_type3A_425 = arith.extui %lt3A_424 : i1 to i32
      %cond3A_426 = arith.constant 0 : i32
      %cond3A_427 = arith.cmpi ne, %convert_element_type3A_425, %cond3A_426 : i32
      scf.if %cond3A_427 {
        %jit3A_435 = arith.constant 4 : i32
        %eq3A_436 = arith.constant 0 : i32
        %eq3A_437 = arith.cmpi eq, %jit3A_435, %eq3A_436 : i32
        %jit3A_438 = arith.constant 1 : i32
        %select_n3A_439 = arith.select %eq3A_437, %jit3A_438, %jit3A_435 : i32
        %rem3A_440 = arith.remsi %sub3A_417, %select_n3A_439 : i32
        %ne3A_441 = arith.constant 0 : i32
        %ne3A_442 = arith.cmpi ne, %rem3A_440, %ne3A_441 : i32
        %lt3A_443 = arith.constant 0 : i32
        %lt3A_444 = arith.cmpi slt, %rem3A_440, %lt3A_443 : i32
        %lt3A_445 = arith.constant 0 : i32
        %lt3A_446 = arith.cmpi slt, %select_n3A_439, %lt3A_445 : i32
        %ne3A_447 = arith.xori %lt3A_444, %lt3A_446 : i1
        %and3A_448 = arith.andi %ne3A_447, %ne3A_442 : i1
        %add3A_449 = arith.addi %rem3A_440, %select_n3A_439 : i32
        %select_n3A_450 = arith.select %and3A_448, %add3A_449, %rem3A_440 : i32
        %dma_wait3A_451 = arith.constant 0 : i32
        %dma_wait3A_452 = arith.constant 0 : i32
        %dma_wait3A_453 = tpu.memref_slice %arg5[%select_n3A_450, %dma_wait3A_451, %dma_wait3A_452] : memref<4x2x128xi32, #tpu.memory_space<vmem>> -> memref<1x2x128xi32, #tpu.memory_space<vmem>>
        %dma_wait3A_454 = tpu.memref_squeeze %dma_wait3A_453 : memref<1x2x128xi32, #tpu.memory_space<vmem>> -> memref<2x128xi32, #tpu.memory_space<vmem>>
        %dma_wait3A_455 = arith.constant 0 : i32
        %dma_wait3A_456 = arith.constant 0 : i32
        %dma_wait3A_457 = tpu.memref_slice %arg3[%dma_wait3A_455, %dma_wait3A_456] : memref<2x320000xi32, #tpu.memory_space<hbm>> -> memref<2x128xi32, #tpu.memory_space<hbm>>
        %dma_wait3A_458 = tpu.memref_slice %arg10[%select_n3A_450] : memref<4x!tpu.dma_semaphore, #tpu.memory_space<semaphore_mem>> -> memref<1x!tpu.dma_semaphore, #tpu.memory_space<semaphore_mem>>
        %dma_wait3A_459 = tpu.memref_squeeze %dma_wait3A_458 : memref<1x!tpu.dma_semaphore, #tpu.memory_space<semaphore_mem>> -> memref<!tpu.dma_semaphore, #tpu.memory_space<semaphore_mem>>
        %dma_wait3A_460 = arith.constant 0 : i32
        %dma_wait3A_461 = arith.constant 0 : i32
        %dma_wait3A_462 = tpu.memref_slice %arg5[%select_n3A_450, %dma_wait3A_460, %dma_wait3A_461] : memref<4x2x128xi32, #tpu.memory_space<vmem>> -> memref<1x2x128xi32, #tpu.memory_space<vmem>>
        %dma_wait3A_463 = tpu.memref_squeeze %dma_wait3A_462 : memref<1x2x128xi32, #tpu.memory_space<vmem>> -> memref<2x128xi32, #tpu.memory_space<vmem>>
        %dma_wait3A_464 = arith.constant 0 : i32
        %dma_wait3A_465 = arith.constant 0 : i32
        %dma_wait3A_466 = tpu.memref_slice %arg3[%dma_wait3A_464, %dma_wait3A_465] : memref<2x320000xi32, #tpu.memory_space<hbm>> -> memref<2x128xi32, #tpu.memory_space<hbm>>
        tpu.wait_dma2 semaphore(%dma_wait3A_459 : memref<!tpu.dma_semaphore, #tpu.memory_space<semaphore_mem>>) src(%dma_wait3A_466 : memref<2x128xi32, #tpu.memory_space<hbm>>) dst(%dma_wait3A_463 : memref<2x128xi32, #tpu.memory_space<vmem>>)
        %jit3A_467 = arith.constant 4 : i32
        %eq3A_468 = arith.constant 0 : i32
        %eq3A_469 = arith.cmpi eq, %jit3A_467, %eq3A_468 : i32
        %jit3A_470 = arith.constant 1 : i32
        %select_n3A_471 = arith.select %eq3A_469, %jit3A_470, %jit3A_467 : i32
        %rem3A_472 = arith.remsi %sub3A_417, %select_n3A_471 : i32
        %ne3A_473 = arith.constant 0 : i32
        %ne3A_474 = arith.cmpi ne, %rem3A_472, %ne3A_473 : i32
        %lt3A_475 = arith.constant 0 : i32
        %lt3A_476 = arith.cmpi slt, %rem3A_472, %lt3A_475 : i32
        %lt3A_477 = arith.constant 0 : i32
        %lt3A_478 = arith.cmpi slt, %select_n3A_471, %lt3A_477 : i32
        %ne3A_479 = arith.xori %lt3A_476, %lt3A_478 : i1
        %and3A_480 = arith.andi %ne3A_479, %ne3A_474 : i1
        %add3A_481 = arith.addi %rem3A_472, %select_n3A_471 : i32
        %select_n3A_482 = arith.select %and3A_480, %add3A_481, %rem3A_472 : i32
        %jit3A_483 = arith.constant 3 : i32
        %eq3A_484 = arith.constant 0 : i32
        %eq3A_485 = arith.cmpi eq, %jit3A_483, %eq3A_484 : i32
        %jit3A_486 = arith.constant 1 : i32
        %select_n3A_487 = arith.select %eq3A_485, %jit3A_486, %jit3A_483 : i32
        %rem3A_488 = arith.remsi %sub3A_417, %select_n3A_487 : i32
        %ne3A_489 = arith.constant 0 : i32
        %ne3A_490 = arith.cmpi ne, %rem3A_488, %ne3A_489 : i32
        %lt3A_491 = arith.constant 0 : i32
        %lt3A_492 = arith.cmpi slt, %rem3A_488, %lt3A_491 : i32
        %lt3A_493 = arith.constant 0 : i32
        %lt3A_494 = arith.cmpi slt, %select_n3A_487, %lt3A_493 : i32
        %ne3A_495 = arith.xori %lt3A_492, %lt3A_494 : i1
        %and3A_496 = arith.andi %ne3A_495, %ne3A_490 : i1
        %add3A_497 = arith.addi %rem3A_488, %select_n3A_487 : i32
        %select_n3A_498 = arith.select %and3A_496, %add3A_497, %rem3A_488 : i32
        %jit3A_499 = arith.constant 3 : i32
        %eq3A_500 = arith.constant 0 : i32
        %eq3A_501 = arith.cmpi eq, %jit3A_499, %eq3A_500 : i32
        %jit3A_502 = arith.constant 1 : i32
        %select_n3A_503 = arith.select %eq3A_501, %jit3A_502, %jit3A_499 : i32
        %rem3A_504 = arith.remsi %sub3A_417, %select_n3A_503 : i32
        %ne3A_505 = arith.constant 0 : i32
        %ne3A_506 = arith.cmpi ne, %rem3A_504, %ne3A_505 : i32
        %lt3A_507 = arith.constant 0 : i32
        %lt3A_508 = arith.cmpi slt, %rem3A_504, %lt3A_507 : i32
        %lt3A_509 = arith.constant 0 : i32
        %lt3A_510 = arith.cmpi slt, %select_n3A_503, %lt3A_509 : i32
        %ne3A_511 = arith.xori %lt3A_508, %lt3A_510 : i1
        %and3A_512 = arith.andi %ne3A_511, %ne3A_506 : i1
        %add3A_513 = arith.addi %rem3A_504, %select_n3A_503 : i32
        %select_n3A_514 = arith.select %and3A_512, %add3A_513, %rem3A_504 : i32
        %dma_start3A_515 = arith.constant 0 : i32
        %dma_start3A_516 = arith.constant 0 : i32
        %dma_start3A_517 = arith.constant 0 : i32
        %dma_start3A_518 = tpu.memref_slice %arg6[%select_n3A_498, %dma_start3A_516, %dma_start3A_517] : memref<3x128x128xf32, #tpu.memory_space<vmem>> -> memref<1x128x128xf32, #tpu.memory_space<vmem>>
        %dma_start3A_519 = tpu.memref_squeeze %dma_start3A_518 : memref<1x128x128xf32, #tpu.memory_space<vmem>> -> memref<128x128xf32, #tpu.memory_space<vmem>>
        %dma_start3A_520 = arith.constant 0 : i32
        %dma_start3A_521 = tpu.memref_slice %arg5[%select_n3A_482, %dma_start3A_515, %dma_start3A_520] : memref<4x2x128xi32, #tpu.memory_space<vmem>> -> memref<1x1x128xi32, #tpu.memory_space<vmem>>
        %dma_start3A_522 = tpu.memref_squeeze %dma_start3A_521 : memref<1x1x128xi32, #tpu.memory_space<vmem>> -> memref<128xi32, #tpu.memory_space<vmem>>
        %dma_start3A_523 = arith.constant 0 : i32
        %dma_start3A_524 = arith.constant 0 : i32
        %dma_start3A_525 = tpu.memref_slice %arg2[%dma_start3A_523, %dma_start3A_524] : memref<10000x128xf32, #tpu.memory_space<hbm>> -> memref<10000x128xf32, #tpu.memory_space<hbm>>
        %dma_start3A_526 = tpu.memref_slice %arg8[%select_n3A_514] : memref<3x!tpu.dma_semaphore, #tpu.memory_space<semaphore_mem>> -> memref<1x!tpu.dma_semaphore, #tpu.memory_space<semaphore_mem>>
        %dma_start3A_527 = tpu.memref_squeeze %dma_start3A_526 : memref<1x!tpu.dma_semaphore, #tpu.memory_space<semaphore_mem>> -> memref<!tpu.dma_semaphore, #tpu.memory_space<semaphore_mem>>
        tpu.enqueue_indirect_dma source(%dma_start3A_525 : memref<10000x128xf32, #tpu.memory_space<hbm>>) target(%dma_start3A_519 : memref<128x128xf32, #tpu.memory_space<vmem>>) offsets(%dma_start3A_522 : memref<128xi32, #tpu.memory_space<vmem>>) semaphore(%dma_start3A_527 : memref<!tpu.dma_semaphore, #tpu.memory_space<semaphore_mem>>)
      } else {
      }
      %add3A_428 = arith.constant 3 : i32
      %add3A_429 = arith.addi %while3A_307, %add3A_428 : i32
      %lt3A_430 = arith.cmpi slt, %add3A_429, %add3A_8 : i32
      %convert_element_type3A_431 = arith.extui %lt3A_430 : i1 to i32
      %cond3A_432 = arith.constant 0 : i32
      %cond3A_433 = arith.cmpi ne, %convert_element_type3A_431, %cond3A_432 : i32
      scf.if %cond3A_433 {
        %add3A_435 = arith.constant 3 : i32
        %add3A_436 = arith.addi %while3A_307, %add3A_435 : i32
        %jit3A_437 = arith.constant 4 : i32
        %eq3A_438 = arith.constant 0 : i32
        %eq3A_439 = arith.cmpi eq, %jit3A_437, %eq3A_438 : i32
        %jit3A_440 = arith.constant 1 : i32
        %select_n3A_441 = arith.select %eq3A_439, %jit3A_440, %jit3A_437 : i32
        %rem3A_442 = arith.remsi %add3A_436, %select_n3A_441 : i32
        %ne3A_443 = arith.constant 0 : i32
        %ne3A_444 = arith.cmpi ne, %rem3A_442, %ne3A_443 : i32
        %lt3A_445 = arith.constant 0 : i32
        %lt3A_446 = arith.cmpi slt, %rem3A_442, %lt3A_445 : i32
        %lt3A_447 = arith.constant 0 : i32
        %lt3A_448 = arith.cmpi slt, %select_n3A_441, %lt3A_447 : i32
        %ne3A_449 = arith.xori %lt3A_446, %lt3A_448 : i1
        %and3A_450 = arith.andi %ne3A_449, %ne3A_444 : i1
        %add3A_451 = arith.addi %rem3A_442, %select_n3A_441 : i32
        %select_n3A_452 = arith.select %and3A_450, %add3A_451, %rem3A_442 : i32
        %add3A_453 = arith.addi %add3A_4, %add3A_436 : i32
        %mul3A_454 = arith.constant 128 : i32
        %mul3A_455 = arith.muli %add3A_453, %mul3A_454 : i32
        %dma_start3A_456 = arith.constant 0 : i32
        %dma_start3A_457 = arith.constant 0 : i32
        %dma_start3A_458 = tpu.memref_slice %arg5[%select_n3A_452, %dma_start3A_456, %dma_start3A_457] : memref<4x2x128xi32, #tpu.memory_space<vmem>> -> memref<1x2x128xi32, #tpu.memory_space<vmem>>
        %dma_start3A_459 = tpu.memref_squeeze %dma_start3A_458 : memref<1x2x128xi32, #tpu.memory_space<vmem>> -> memref<2x128xi32, #tpu.memory_space<vmem>>
        %dma_start3A_460 = arith.constant 0 : i32
        %dma_start3A_461 = tpu.memref_slice %arg3[%dma_start3A_460, %mul3A_455] : memref<2x320000xi32, #tpu.memory_space<hbm>> -> memref<2x128xi32, #tpu.memory_space<hbm>>
        %dma_start3A_462 = tpu.memref_slice %arg10[%select_n3A_452] : memref<4x!tpu.dma_semaphore, #tpu.memory_space<semaphore_mem>> -> memref<1x!tpu.dma_semaphore, #tpu.memory_space<semaphore_mem>>
        %dma_start3A_463 = tpu.memref_squeeze %dma_start3A_462 : memref<1x!tpu.dma_semaphore, #tpu.memory_space<semaphore_mem>> -> memref<!tpu.dma_semaphore, #tpu.memory_space<semaphore_mem>>
        %dma_start3A_464 = arith.constant 0 : i32
        %dma_start3A_465 = arith.constant 0 : i32
        %dma_start3A_466 = tpu.memref_slice %arg5[%select_n3A_452, %dma_start3A_464, %dma_start3A_465] : memref<4x2x128xi32, #tpu.memory_space<vmem>> -> memref<1x2x128xi32, #tpu.memory_space<vmem>>
        %dma_start3A_467 = tpu.memref_squeeze %dma_start3A_466 : memref<1x2x128xi32, #tpu.memory_space<vmem>> -> memref<2x128xi32, #tpu.memory_space<vmem>>
        %dma_start3A_468 = arith.constant 0 : i32
        %dma_start3A_469 = tpu.memref_slice %arg3[%dma_start3A_468, %mul3A_455] : memref<2x320000xi32, #tpu.memory_space<hbm>> -> memref<2x128xi32, #tpu.memory_space<hbm>>
        tpu.enqueue_dma source(%dma_start3A_469 : memref<2x128xi32, #tpu.memory_space<hbm>>) target(%dma_start3A_467 : memref<2x128xi32, #tpu.memory_space<vmem>>) target_semaphore(%dma_start3A_463 : memref<!tpu.dma_semaphore, #tpu.memory_space<semaphore_mem>>)
      } else {
      }
      %while3A_434 = arith.constant 0 : i32
      scf.yield %while3A_434 : i32
    }
    %while3A_220 = arith.constant 1 : i32
    %while3A_221 = scf.for %while3A_307 = %while3A_217 to %while3A_213 step %while3A_220 iter_args(%while3A_308 = %while3A_219) -> (i32)  : i32 {
      %jit3A_309 = arith.constant 3 : i32
      %eq3A = arith.constant 0 : i32
      %eq3A_310 = arith.cmpi eq, %jit3A_309, %eq3A : i32
      %jit3A_311 = arith.constant 1 : i32
      %select_n3A_312 = arith.select %eq3A_310, %jit3A_311, %jit3A_309 : i32
      %rem3A = arith.remsi %while3A_307, %select_n3A_312 : i32
      %ne3A = arith.constant 0 : i32
      %ne3A_313 = arith.cmpi ne, %rem3A, %ne3A : i32
      %lt3A_314 = arith.constant 0 : i32
      %lt3A_315 = arith.cmpi slt, %rem3A, %lt3A_314 : i32
      %lt3A_316 = arith.constant 0 : i32
      %lt3A_317 = arith.cmpi slt, %select_n3A_312, %lt3A_316 : i32
      %ne3A_318 = arith.xori %lt3A_315, %lt3A_317 : i1
      %and3A = arith.andi %ne3A_318, %ne3A_313 : i1
      %add3A_319 = arith.addi %rem3A, %select_n3A_312 : i32
      %select_n3A_320 = arith.select %and3A, %add3A_319, %rem3A : i32
      %jit3A_321 = arith.constant 3 : i32
      %eq3A_322 = arith.constant 0 : i32
      %eq3A_323 = arith.cmpi eq, %jit3A_321, %eq3A_322 : i32
      %jit3A_324 = arith.constant 1 : i32
      %select_n3A_325 = arith.select %eq3A_323, %jit3A_324, %jit3A_321 : i32
      %rem3A_326 = arith.remsi %while3A_307, %select_n3A_325 : i32
      %ne3A_327 = arith.constant 0 : i32
      %ne3A_328 = arith.cmpi ne, %rem3A_326, %ne3A_327 : i32
      %lt3A_329 = arith.constant 0 : i32
      %lt3A_330 = arith.cmpi slt, %rem3A_326, %lt3A_329 : i32
      %lt3A_331 = arith.constant 0 : i32
      %lt3A_332 = arith.cmpi slt, %select_n3A_325, %lt3A_331 : i32
      %ne3A_333 = arith.xori %lt3A_330, %lt3A_332 : i1
      %and3A_334 = arith.andi %ne3A_333, %ne3A_328 : i1
      %add3A_335 = arith.addi %rem3A_326, %select_n3A_325 : i32
      %select_n3A_336 = arith.select %and3A_334, %add3A_335, %rem3A_326 : i32
      %dma_wait3A_337 = arith.constant 0 : i32
      %dma_wait3A_338 = arith.constant 0 : i32
      %dma_wait3A_339 = tpu.memref_slice %arg6[%select_n3A_320, %dma_wait3A_337, %dma_wait3A_338] : memref<3x128x128xf32, #tpu.memory_space<vmem>> -> memref<1x128x128xf32, #tpu.memory_space<vmem>>
      %dma_wait3A_340 = tpu.memref_squeeze %dma_wait3A_339 : memref<1x128x128xf32, #tpu.memory_space<vmem>> -> memref<128x128xf32, #tpu.memory_space<vmem>>
      %dma_wait3A_341 = arith.constant 0 : i32
      %dma_wait3A_342 = arith.constant 0 : i32
      %dma_wait3A_343 = tpu.memref_slice %arg2[%dma_wait3A_341, %dma_wait3A_342] : memref<10000x128xf32, #tpu.memory_space<hbm>> -> memref<128x128xf32, #tpu.memory_space<hbm>>
      %dma_wait3A_344 = tpu.memref_slice %arg8[%select_n3A_336] : memref<3x!tpu.dma_semaphore, #tpu.memory_space<semaphore_mem>> -> memref<1x!tpu.dma_semaphore, #tpu.memory_space<semaphore_mem>>
      %dma_wait3A_345 = tpu.memref_squeeze %dma_wait3A_344 : memref<1x!tpu.dma_semaphore, #tpu.memory_space<semaphore_mem>> -> memref<!tpu.dma_semaphore, #tpu.memory_space<semaphore_mem>>
      %dma_wait3A_346 = arith.constant 0 : i32
      %dma_wait3A_347 = arith.constant 0 : i32
      %dma_wait3A_348 = tpu.memref_slice %arg6[%select_n3A_320, %dma_wait3A_346, %dma_wait3A_347] : memref<3x128x128xf32, #tpu.memory_space<vmem>> -> memref<1x128x128xf32, #tpu.memory_space<vmem>>
      %dma_wait3A_349 = tpu.memref_squeeze %dma_wait3A_348 : memref<1x128x128xf32, #tpu.memory_space<vmem>> -> memref<128x128xf32, #tpu.memory_space<vmem>>
      %dma_wait3A_350 = arith.constant 0 : i32
      %dma_wait3A_351 = arith.constant 0 : i32
      %dma_wait3A_352 = tpu.memref_slice %arg2[%dma_wait3A_350, %dma_wait3A_351] : memref<10000x128xf32, #tpu.memory_space<hbm>> -> memref<128x128xf32, #tpu.memory_space<hbm>>
      tpu.wait_dma2 semaphore(%dma_wait3A_345 : memref<!tpu.dma_semaphore, #tpu.memory_space<semaphore_mem>>) src(%dma_wait3A_352 : memref<128x128xf32, #tpu.memory_space<hbm>>) dst(%dma_wait3A_349 : memref<128x128xf32, #tpu.memory_space<vmem>>)
      %jit3A_353 = arith.constant 3 : i32
      %eq3A_354 = arith.constant 0 : i32
      %eq3A_355 = arith.cmpi eq, %jit3A_353, %eq3A_354 : i32
      %jit3A_356 = arith.constant 1 : i32
      %select_n3A_357 = arith.select %eq3A_355, %jit3A_356, %jit3A_353 : i32
      %rem3A_358 = arith.remsi %while3A_307, %select_n3A_357 : i32
      %ne3A_359 = arith.constant 0 : i32
      %ne3A_360 = arith.cmpi ne, %rem3A_358, %ne3A_359 : i32
      %lt3A_361 = arith.constant 0 : i32
      %lt3A_362 = arith.cmpi slt, %rem3A_358, %lt3A_361 : i32
      %lt3A_363 = arith.constant 0 : i32
      %lt3A_364 = arith.cmpi slt, %select_n3A_357, %lt3A_363 : i32
      %ne3A_365 = arith.xori %lt3A_362, %lt3A_364 : i1
      %and3A_366 = arith.andi %ne3A_365, %ne3A_360 : i1
      %add3A_367 = arith.addi %rem3A_358, %select_n3A_357 : i32
      %select_n3A_368 = arith.select %and3A_366, %add3A_367, %rem3A_358 : i32
      %jit3A_369 = arith.constant 4 : i32
      %eq3A_370 = arith.constant 0 : i32
      %eq3A_371 = arith.cmpi eq, %jit3A_369, %eq3A_370 : i32
      %jit3A_372 = arith.constant 1 : i32
      %select_n3A_373 = arith.select %eq3A_371, %jit3A_372, %jit3A_369 : i32
      %rem3A_374 = arith.remsi %while3A_307, %select_n3A_373 : i32
      %ne3A_375 = arith.constant 0 : i32
      %ne3A_376 = arith.cmpi ne, %rem3A_374, %ne3A_375 : i32
      %lt3A_377 = arith.constant 0 : i32
      %lt3A_378 = arith.cmpi slt, %rem3A_374, %lt3A_377 : i32
      %lt3A_379 = arith.constant 0 : i32
      %lt3A_380 = arith.cmpi slt, %select_n3A_373, %lt3A_379 : i32
      %ne3A_381 = arith.xori %lt3A_378, %lt3A_380 : i1
      %and3A_382 = arith.andi %ne3A_381, %ne3A_376 : i1
      %add3A_383 = arith.addi %rem3A_374, %select_n3A_373 : i32
      %select_n3A_384 = arith.select %and3A_382, %add3A_383, %rem3A_374 : i32
      %jit3A_385 = arith.constant 3 : i32
      %eq3A_386 = arith.constant 0 : i32
      %eq3A_387 = arith.cmpi eq, %jit3A_385, %eq3A_386 : i32
      %jit3A_388 = arith.constant 1 : i32
      %select_n3A_389 = arith.select %eq3A_387, %jit3A_388, %jit3A_385 : i32
      %rem3A_390 = arith.remsi %while3A_307, %select_n3A_389 : i32
      %ne3A_391 = arith.constant 0 : i32
      %ne3A_392 = arith.cmpi ne, %rem3A_390, %ne3A_391 : i32
      %lt3A_393 = arith.constant 0 : i32
      %lt3A_394 = arith.cmpi slt, %rem3A_390, %lt3A_393 : i32
      %lt3A_395 = arith.constant 0 : i32
      %lt3A_396 = arith.cmpi slt, %select_n3A_389, %lt3A_395 : i32
      %ne3A_397 = arith.xori %lt3A_394, %lt3A_396 : i1
      %and3A_398 = arith.andi %ne3A_397, %ne3A_392 : i1
      %add3A_399 = arith.addi %rem3A_390, %select_n3A_389 : i32
      %select_n3A_400 = arith.select %and3A_398, %add3A_399, %rem3A_390 : i32
      %dma_start3A_401 = arith.constant 1 : i32
      %dma_start3A_402 = arith.constant 0 : i32
      %dma_start3A_403 = arith.constant 0 : i32
      %dma_start3A_404 = tpu.memref_slice %arg6[%select_n3A_368, %dma_start3A_402, %dma_start3A_403] : memref<3x128x128xf32, #tpu.memory_space<vmem>> -> memref<1x128x128xf32, #tpu.memory_space<vmem>>
      %dma_start3A_405 = tpu.memref_squeeze %dma_start3A_404 : memref<1x128x128xf32, #tpu.memory_space<vmem>> -> memref<128x128xf32, #tpu.memory_space<vmem>>
      %dma_start3A_406 = arith.constant 0 : i32
      %dma_start3A_407 = tpu.memref_slice %arg5[%select_n3A_384, %dma_start3A_401, %dma_start3A_406] : memref<4x2x128xi32, #tpu.memory_space<vmem>> -> memref<1x1x128xi32, #tpu.memory_space<vmem>>
      %dma_start3A_408 = tpu.memref_squeeze %dma_start3A_407 : memref<1x1x128xi32, #tpu.memory_space<vmem>> -> memref<128xi32, #tpu.memory_space<vmem>>
      %dma_start3A_409 = arith.constant 0 : i32
      %dma_start3A_410 = arith.constant 0 : i32
      %dma_start3A_411 = tpu.memref_slice %arg7[%dma_start3A_409, %dma_start3A_410] : memref<10000x128xf32, #tpu.memory_space<vmem_shared>> -> memref<10000x128xf32, #tpu.memory_space<vmem_shared>>
      %dma_start3A_412 = tpu.memref_slice %arg9[%select_n3A_400] : memref<3x!tpu.dma_semaphore, #tpu.memory_space<semaphore_mem>> -> memref<1x!tpu.dma_semaphore, #tpu.memory_space<semaphore_mem>>
      %dma_start3A_413 = tpu.memref_squeeze %dma_start3A_412 : memref<1x!tpu.dma_semaphore, #tpu.memory_space<semaphore_mem>> -> memref<!tpu.dma_semaphore, #tpu.memory_space<semaphore_mem>>
      tpu.enqueue_indirect_dma source(%dma_start3A_405 : memref<128x128xf32, #tpu.memory_space<vmem>>) target(%dma_start3A_411 : memref<10000x128xf32, #tpu.memory_space<vmem_shared>>) offsets(%dma_start3A_408 : memref<128xi32, #tpu.memory_space<vmem>>) semaphore(%dma_start3A_413 : memref<!tpu.dma_semaphore, #tpu.memory_space<semaphore_mem>>) {add = true}
      %add3A_414 = arith.constant 3 : i32
      %add3A_415 = arith.addi %while3A_307, %add3A_414 : i32
      %sub3A_416 = arith.constant 1 : i32
      %sub3A_417 = arith.subi %add3A_415, %sub3A_416 : i32
      %lt3A_418 = arith.cmpi slt, %sub3A_417, %add3A_8 : i32
      %ge3A = arith.constant 1 : i32
      %ge3A_419 = arith.cmpi sge, %while3A_307, %ge3A : i32
      %and3A_420 = arith.andi %lt3A_418, %ge3A_419 : i1
      %convert_element_type3A_421 = arith.extui %and3A_420 : i1 to i32
      %cond3A_422 = arith.constant 0 : i32
      %cond3A_423 = arith.cmpi ne, %convert_element_type3A_421, %cond3A_422 : i32
      scf.if %cond3A_423 {
        %jit3A_435 = arith.constant 3 : i32
        %eq3A_436 = arith.constant 0 : i32
        %eq3A_437 = arith.cmpi eq, %jit3A_435, %eq3A_436 : i32
        %jit3A_438 = arith.constant 1 : i32
        %select_n3A_439 = arith.select %eq3A_437, %jit3A_438, %jit3A_435 : i32
        %rem3A_440 = arith.remsi %sub3A_417, %select_n3A_439 : i32
        %ne3A_441 = arith.constant 0 : i32
        %ne3A_442 = arith.cmpi ne, %rem3A_440, %ne3A_441 : i32
        %lt3A_443 = arith.constant 0 : i32
        %lt3A_444 = arith.cmpi slt, %rem3A_440, %lt3A_443 : i32
        %lt3A_445 = arith.constant 0 : i32
        %lt3A_446 = arith.cmpi slt, %select_n3A_439, %lt3A_445 : i32
        %ne3A_447 = arith.xori %lt3A_444, %lt3A_446 : i1
        %and3A_448 = arith.andi %ne3A_447, %ne3A_442 : i1
        %add3A_449 = arith.addi %rem3A_440, %select_n3A_439 : i32
        %select_n3A_450 = arith.select %and3A_448, %add3A_449, %rem3A_440 : i32
        %jit3A_451 = arith.constant 3 : i32
        %eq3A_452 = arith.constant 0 : i32
        %eq3A_453 = arith.cmpi eq, %jit3A_451, %eq3A_452 : i32
        %jit3A_454 = arith.constant 1 : i32
        %select_n3A_455 = arith.select %eq3A_453, %jit3A_454, %jit3A_451 : i32
        %rem3A_456 = arith.remsi %sub3A_417, %select_n3A_455 : i32
        %ne3A_457 = arith.constant 0 : i32
        %ne3A_458 = arith.cmpi ne, %rem3A_456, %ne3A_457 : i32
        %lt3A_459 = arith.constant 0 : i32
        %lt3A_460 = arith.cmpi slt, %rem3A_456, %lt3A_459 : i32
        %lt3A_461 = arith.constant 0 : i32
        %lt3A_462 = arith.cmpi slt, %select_n3A_455, %lt3A_461 : i32
        %ne3A_463 = arith.xori %lt3A_460, %lt3A_462 : i1
        %and3A_464 = arith.andi %ne3A_463, %ne3A_458 : i1
        %add3A_465 = arith.addi %rem3A_456, %select_n3A_455 : i32
        %select_n3A_466 = arith.select %and3A_464, %add3A_465, %rem3A_456 : i32
        %dma_wait3A_467 = arith.constant 0 : i32
        %dma_wait3A_468 = arith.constant 0 : i32
        %dma_wait3A_469 = tpu.memref_slice %arg6[%select_n3A_450, %dma_wait3A_467, %dma_wait3A_468] : memref<3x128x128xf32, #tpu.memory_space<vmem>> -> memref<1x128x128xf32, #tpu.memory_space<vmem>>
        %dma_wait3A_470 = tpu.memref_squeeze %dma_wait3A_469 : memref<1x128x128xf32, #tpu.memory_space<vmem>> -> memref<128x128xf32, #tpu.memory_space<vmem>>
        %dma_wait3A_471 = arith.constant 0 : i32
        %dma_wait3A_472 = arith.constant 0 : i32
        %dma_wait3A_473 = tpu.memref_slice %arg7[%dma_wait3A_471, %dma_wait3A_472] : memref<10000x128xf32, #tpu.memory_space<vmem_shared>> -> memref<128x128xf32, #tpu.memory_space<vmem_shared>>
        %dma_wait3A_474 = tpu.memref_slice %arg9[%select_n3A_466] : memref<3x!tpu.dma_semaphore, #tpu.memory_space<semaphore_mem>> -> memref<1x!tpu.dma_semaphore, #tpu.memory_space<semaphore_mem>>
        %dma_wait3A_475 = tpu.memref_squeeze %dma_wait3A_474 : memref<1x!tpu.dma_semaphore, #tpu.memory_space<semaphore_mem>> -> memref<!tpu.dma_semaphore, #tpu.memory_space<semaphore_mem>>
        %dma_wait3A_476 = arith.constant 0 : i32
        %dma_wait3A_477 = arith.constant 0 : i32
        %dma_wait3A_478 = tpu.memref_slice %arg7[%dma_wait3A_476, %dma_wait3A_477] : memref<10000x128xf32, #tpu.memory_space<vmem_shared>> -> memref<128x128xf32, #tpu.memory_space<vmem_shared>>
        %dma_wait3A_479 = arith.constant 0 : i32
        %dma_wait3A_480 = arith.constant 0 : i32
        %dma_wait3A_481 = tpu.memref_slice %arg6[%select_n3A_450, %dma_wait3A_479, %dma_wait3A_480] : memref<3x128x128xf32, #tpu.memory_space<vmem>> -> memref<1x128x128xf32, #tpu.memory_space<vmem>>
        %dma_wait3A_482 = tpu.memref_squeeze %dma_wait3A_481 : memref<1x128x128xf32, #tpu.memory_space<vmem>> -> memref<128x128xf32, #tpu.memory_space<vmem>>
        tpu.wait_dma2 semaphore(%dma_wait3A_475 : memref<!tpu.dma_semaphore, #tpu.memory_space<semaphore_mem>>) src(%dma_wait3A_482 : memref<128x128xf32, #tpu.memory_space<vmem>>) dst(%dma_wait3A_478 : memref<128x128xf32, #tpu.memory_space<vmem_shared>>)
      } else {
      }
      %lt3A_424 = arith.cmpi slt, %sub3A_417, %add3A_8 : i32
      %convert_element_type3A_425 = arith.extui %lt3A_424 : i1 to i32
      %cond3A_426 = arith.constant 0 : i32
      %cond3A_427 = arith.cmpi ne, %convert_element_type3A_425, %cond3A_426 : i32
      scf.if %cond3A_427 {
        %jit3A_435 = arith.constant 4 : i32
        %eq3A_436 = arith.constant 0 : i32
        %eq3A_437 = arith.cmpi eq, %jit3A_435, %eq3A_436 : i32
        %jit3A_438 = arith.constant 1 : i32
        %select_n3A_439 = arith.select %eq3A_437, %jit3A_438, %jit3A_435 : i32
        %rem3A_440 = arith.remsi %sub3A_417, %select_n3A_439 : i32
        %ne3A_441 = arith.constant 0 : i32
        %ne3A_442 = arith.cmpi ne, %rem3A_440, %ne3A_441 : i32
        %lt3A_443 = arith.constant 0 : i32
        %lt3A_444 = arith.cmpi slt, %rem3A_440, %lt3A_443 : i32
        %lt3A_445 = arith.constant 0 : i32
        %lt3A_446 = arith.cmpi slt, %select_n3A_439, %lt3A_445 : i32
        %ne3A_447 = arith.xori %lt3A_444, %lt3A_446 : i1
        %and3A_448 = arith.andi %ne3A_447, %ne3A_442 : i1
        %add3A_449 = arith.addi %rem3A_440, %select_n3A_439 : i32
        %select_n3A_450 = arith.select %and3A_448, %add3A_449, %rem3A_440 : i32
        %dma_wait3A_451 = arith.constant 0 : i32
        %dma_wait3A_452 = arith.constant 0 : i32
        %dma_wait3A_453 = tpu.memref_slice %arg5[%select_n3A_450, %dma_wait3A_451, %dma_wait3A_452] : memref<4x2x128xi32, #tpu.memory_space<vmem>> -> memref<1x2x128xi32, #tpu.memory_space<vmem>>
        %dma_wait3A_454 = tpu.memref_squeeze %dma_wait3A_453 : memref<1x2x128xi32, #tpu.memory_space<vmem>> -> memref<2x128xi32, #tpu.memory_space<vmem>>
        %dma_wait3A_455 = arith.constant 0 : i32
        %dma_wait3A_456 = arith.constant 0 : i32
        %dma_wait3A_457 = tpu.memref_slice %arg3[%dma_wait3A_455, %dma_wait3A_456] : memref<2x320000xi32, #tpu.memory_space<hbm>> -> memref<2x128xi32, #tpu.memory_space<hbm>>
        %dma_wait3A_458 = tpu.memref_slice %arg10[%select_n3A_450] : memref<4x!tpu.dma_semaphore, #tpu.memory_space<semaphore_mem>> -> memref<1x!tpu.dma_semaphore, #tpu.memory_space<semaphore_mem>>
        %dma_wait3A_459 = tpu.memref_squeeze %dma_wait3A_458 : memref<1x!tpu.dma_semaphore, #tpu.memory_space<semaphore_mem>> -> memref<!tpu.dma_semaphore, #tpu.memory_space<semaphore_mem>>
        %dma_wait3A_460 = arith.constant 0 : i32
        %dma_wait3A_461 = arith.constant 0 : i32
        %dma_wait3A_462 = tpu.memref_slice %arg5[%select_n3A_450, %dma_wait3A_460, %dma_wait3A_461] : memref<4x2x128xi32, #tpu.memory_space<vmem>> -> memref<1x2x128xi32, #tpu.memory_space<vmem>>
        %dma_wait3A_463 = tpu.memref_squeeze %dma_wait3A_462 : memref<1x2x128xi32, #tpu.memory_space<vmem>> -> memref<2x128xi32, #tpu.memory_space<vmem>>
        %dma_wait3A_464 = arith.constant 0 : i32
        %dma_wait3A_465 = arith.constant 0 : i32
        %dma_wait3A_466 = tpu.memref_slice %arg3[%dma_wait3A_464, %dma_wait3A_465] : memref<2x320000xi32, #tpu.memory_space<hbm>> -> memref<2x128xi32, #tpu.memory_space<hbm>>
        tpu.wait_dma2 semaphore(%dma_wait3A_459 : memref<!tpu.dma_semaphore, #tpu.memory_space<semaphore_mem>>) src(%dma_wait3A_466 : memref<2x128xi32, #tpu.memory_space<hbm>>) dst(%dma_wait3A_463 : memref<2x128xi32, #tpu.memory_space<vmem>>)
        %jit3A_467 = arith.constant 4 : i32
        %eq3A_468 = arith.constant 0 : i32
        %eq3A_469 = arith.cmpi eq, %jit3A_467, %eq3A_468 : i32
        %jit3A_470 = arith.constant 1 : i32
        %select_n3A_471 = arith.select %eq3A_469, %jit3A_470, %jit3A_467 : i32
        %rem3A_472 = arith.remsi %sub3A_417, %select_n3A_471 : i32
        %ne3A_473 = arith.constant 0 : i32
        %ne3A_474 = arith.cmpi ne, %rem3A_472, %ne3A_473 : i32
        %lt3A_475 = arith.constant 0 : i32
        %lt3A_476 = arith.cmpi slt, %rem3A_472, %lt3A_475 : i32
        %lt3A_477 = arith.constant 0 : i32
        %lt3A_478 = arith.cmpi slt, %select_n3A_471, %lt3A_477 : i32
        %ne3A_479 = arith.xori %lt3A_476, %lt3A_478 : i1
        %and3A_480 = arith.andi %ne3A_479, %ne3A_474 : i1
        %add3A_481 = arith.addi %rem3A_472, %select_n3A_471 : i32
        %select_n3A_482 = arith.select %and3A_480, %add3A_481, %rem3A_472 : i32
        %jit3A_483 = arith.constant 3 : i32
        %eq3A_484 = arith.constant 0 : i32
        %eq3A_485 = arith.cmpi eq, %jit3A_483, %eq3A_484 : i32
        %jit3A_486 = arith.constant 1 : i32
        %select_n3A_487 = arith.select %eq3A_485, %jit3A_486, %jit3A_483 : i32
        %rem3A_488 = arith.remsi %sub3A_417, %select_n3A_487 : i32
        %ne3A_489 = arith.constant 0 : i32
        %ne3A_490 = arith.cmpi ne, %rem3A_488, %ne3A_489 : i32
        %lt3A_491 = arith.constant 0 : i32
        %lt3A_492 = arith.cmpi slt, %rem3A_488, %lt3A_491 : i32
        %lt3A_493 = arith.constant 0 : i32
        %lt3A_494 = arith.cmpi slt, %select_n3A_487, %lt3A_493 : i32
        %ne3A_495 = arith.xori %lt3A_492, %lt3A_494 : i1
        %and3A_496 = arith.andi %ne3A_495, %ne3A_490 : i1
        %add3A_497 = arith.addi %rem3A_488, %select_n3A_487 : i32
        %select_n3A_498 = arith.select %and3A_496, %add3A_497, %rem3A_488 : i32
        %jit3A_499 = arith.constant 3 : i32
        %eq3A_500 = arith.constant 0 : i32
        %eq3A_501 = arith.cmpi eq, %jit3A_499, %eq3A_500 : i32
        %jit3A_502 = arith.constant 1 : i32
        %select_n3A_503 = arith.select %eq3A_501, %jit3A_502, %jit3A_499 : i32
        %rem3A_504 = arith.remsi %sub3A_417, %select_n3A_503 : i32
        %ne3A_505 = arith.constant 0 : i32
        %ne3A_506 = arith.cmpi ne, %rem3A_504, %ne3A_505 : i32
        %lt3A_507 = arith.constant 0 : i32
        %lt3A_508 = arith.cmpi slt, %rem3A_504, %lt3A_507 : i32
        %lt3A_509 = arith.constant 0 : i32
        %lt3A_510 = arith.cmpi slt, %select_n3A_503, %lt3A_509 : i32
        %ne3A_511 = arith.xori %lt3A_508, %lt3A_510 : i1
        %and3A_512 = arith.andi %ne3A_511, %ne3A_506 : i1
        %add3A_513 = arith.addi %rem3A_504, %select_n3A_503 : i32
        %select_n3A_514 = arith.select %and3A_512, %add3A_513, %rem3A_504 : i32
        %dma_start3A_515 = arith.constant 0 : i32
        %dma_start3A_516 = arith.constant 0 : i32
        %dma_start3A_517 = arith.constant 0 : i32
        %dma_start3A_518 = tpu.memref_slice %arg6[%select_n3A_498, %dma_start3A_516, %dma_start3A_517] : memref<3x128x128xf32, #tpu.memory_space<vmem>> -> memref<1x128x128xf32, #tpu.memory_space<vmem>>
        %dma_start3A_519 = tpu.memref_squeeze %dma_start3A_518 : memref<1x128x128xf32, #tpu.memory_space<vmem>> -> memref<128x128xf32, #tpu.memory_space<vmem>>
        %dma_start3A_520 = arith.constant 0 : i32
        %dma_start3A_521 = tpu.memref_slice %arg5[%select_n3A_482, %dma_start3A_515, %dma_start3A_520] : memref<4x2x128xi32, #tpu.memory_space<vmem>> -> memref<1x1x128xi32, #tpu.memory_space<vmem>>
        %dma_start3A_522 = tpu.memref_squeeze %dma_start3A_521 : memref<1x1x128xi32, #tpu.memory_space<vmem>> -> memref<128xi32, #tpu.memory_space<vmem>>
        %dma_start3A_523 = arith.constant 0 : i32
        %dma_start3A_524 = arith.constant 0 : i32
        %dma_start3A_525 = tpu.memref_slice %arg2[%dma_start3A_523, %dma_start3A_524] : memref<10000x128xf32, #tpu.memory_space<hbm>> -> memref<10000x128xf32, #tpu.memory_space<hbm>>
        %dma_start3A_526 = tpu.memref_slice %arg8[%select_n3A_514] : memref<3x!tpu.dma_semaphore, #tpu.memory_space<semaphore_mem>> -> memref<1x!tpu.dma_semaphore, #tpu.memory_space<semaphore_mem>>
        %dma_start3A_527 = tpu.memref_squeeze %dma_start3A_526 : memref<1x!tpu.dma_semaphore, #tpu.memory_space<semaphore_mem>> -> memref<!tpu.dma_semaphore, #tpu.memory_space<semaphore_mem>>
        tpu.enqueue_indirect_dma source(%dma_start3A_525 : memref<10000x128xf32, #tpu.memory_space<hbm>>) target(%dma_start3A_519 : memref<128x128xf32, #tpu.memory_space<vmem>>) offsets(%dma_start3A_522 : memref<128xi32, #tpu.memory_space<vmem>>) semaphore(%dma_start3A_527 : memref<!tpu.dma_semaphore, #tpu.memory_space<semaphore_mem>>)
      } else {
      }
      %add3A_428 = arith.constant 3 : i32
      %add3A_429 = arith.addi %while3A_307, %add3A_428 : i32
      %lt3A_430 = arith.cmpi slt, %add3A_429, %add3A_8 : i32
      %convert_element_type3A_431 = arith.extui %lt3A_430 : i1 to i32
      %cond3A_432 = arith.constant 0 : i32
      %cond3A_433 = arith.cmpi ne, %convert_element_type3A_431, %cond3A_432 : i32
      scf.if %cond3A_433 {
        %add3A_435 = arith.constant 3 : i32
        %add3A_436 = arith.addi %while3A_307, %add3A_435 : i32
        %jit3A_437 = arith.constant 4 : i32
        %eq3A_438 = arith.constant 0 : i32
        %eq3A_439 = arith.cmpi eq, %jit3A_437, %eq3A_438 : i32
        %jit3A_440 = arith.constant 1 : i32
        %select_n3A_441 = arith.select %eq3A_439, %jit3A_440, %jit3A_437 : i32
        %rem3A_442 = arith.remsi %add3A_436, %select_n3A_441 : i32
        %ne3A_443 = arith.constant 0 : i32
        %ne3A_444 = arith.cmpi ne, %rem3A_442, %ne3A_443 : i32
        %lt3A_445 = arith.constant 0 : i32
        %lt3A_446 = arith.cmpi slt, %rem3A_442, %lt3A_445 : i32
        %lt3A_447 = arith.constant 0 : i32
        %lt3A_448 = arith.cmpi slt, %select_n3A_441, %lt3A_447 : i32
        %ne3A_449 = arith.xori %lt3A_446, %lt3A_448 : i1
        %and3A_450 = arith.andi %ne3A_449, %ne3A_444 : i1
        %add3A_451 = arith.addi %rem3A_442, %select_n3A_441 : i32
        %select_n3A_452 = arith.select %and3A_450, %add3A_451, %rem3A_442 : i32
        %add3A_453 = arith.addi %add3A_4, %add3A_436 : i32
        %mul3A_454 = arith.constant 128 : i32
        %mul3A_455 = arith.muli %add3A_453, %mul3A_454 : i32
        %dma_start3A_456 = arith.constant 0 : i32
        %dma_start3A_457 = arith.constant 0 : i32
        %dma_start3A_458 = tpu.memref_slice %arg5[%select_n3A_452, %dma_start3A_456, %dma_start3A_457] : memref<4x2x128xi32, #tpu.memory_space<vmem>> -> memref<1x2x128xi32, #tpu.memory_space<vmem>>
        %dma_start3A_459 = tpu.memref_squeeze %dma_start3A_458 : memref<1x2x128xi32, #tpu.memory_space<vmem>> -> memref<2x128xi32, #tpu.memory_space<vmem>>
        %dma_start3A_460 = arith.constant 0 : i32
        %dma_start3A_461 = tpu.memref_slice %arg3[%dma_start3A_460, %mul3A_455] : memref<2x320000xi32, #tpu.memory_space<hbm>> -> memref<2x128xi32, #tpu.memory_space<hbm>>
        %dma_start3A_462 = tpu.memref_slice %arg10[%select_n3A_452] : memref<4x!tpu.dma_semaphore, #tpu.memory_space<semaphore_mem>> -> memref<1x!tpu.dma_semaphore, #tpu.memory_space<semaphore_mem>>
        %dma_start3A_463 = tpu.memref_squeeze %dma_start3A_462 : memref<1x!tpu.dma_semaphore, #tpu.memory_space<semaphore_mem>> -> memref<!tpu.dma_semaphore, #tpu.memory_space<semaphore_mem>>
        %dma_start3A_464 = arith.constant 0 : i32
        %dma_start3A_465 = arith.constant 0 : i32
        %dma_start3A_466 = tpu.memref_slice %arg5[%select_n3A_452, %dma_start3A_464, %dma_start3A_465] : memref<4x2x128xi32, #tpu.memory_space<vmem>> -> memref<1x2x128xi32, #tpu.memory_space<vmem>>
        %dma_start3A_467 = tpu.memref_squeeze %dma_start3A_466 : memref<1x2x128xi32, #tpu.memory_space<vmem>> -> memref<2x128xi32, #tpu.memory_space<vmem>>
        %dma_start3A_468 = arith.constant 0 : i32
        %dma_start3A_469 = tpu.memref_slice %arg3[%dma_start3A_468, %mul3A_455] : memref<2x320000xi32, #tpu.memory_space<hbm>> -> memref<2x128xi32, #tpu.memory_space<hbm>>
        tpu.enqueue_dma source(%dma_start3A_469 : memref<2x128xi32, #tpu.memory_space<hbm>>) target(%dma_start3A_467 : memref<2x128xi32, #tpu.memory_space<vmem>>) target_semaphore(%dma_start3A_463 : memref<!tpu.dma_semaphore, #tpu.memory_space<semaphore_mem>>)
      } else {
      }
      %while3A_434 = arith.constant 0 : i32
      scf.yield %while3A_434 : i32
    }
    %sub3A = arith.constant 3 : i32
    %sub3A_222 = arith.subi %add3A_8, %sub3A : i32
    %while3A_223 = arith.constant 0 : i32
    %while3A_224 = arith.subi %add3A_8, %sub3A_222 : i32
    %while3A_225 = arith.addi %sub3A_222, %while3A_224 : i32
    %while3A_226 = arith.constant 1 : i32
    %while3A_227 = arith.divsi %while3A_224, %while3A_226 : i32
    %while3A_228 = arith.muli %while3A_227, %while3A_226 : i32
    %while3A_229 = arith.addi %sub3A_222, %while3A_228 : i32
    %while3A_230 = arith.constant 1 : i32
    %while3A_231 = scf.for %while3A_307 = %sub3A_222 to %while3A_229 step %while3A_230 iter_args(%while3A_308 = %while3A_223) -> (i32)  : i32 {
      %jit3A_309 = arith.constant 3 : i32
      %eq3A = arith.constant 0 : i32
      %eq3A_310 = arith.cmpi eq, %jit3A_309, %eq3A : i32
      %jit3A_311 = arith.constant 1 : i32
      %select_n3A_312 = arith.select %eq3A_310, %jit3A_311, %jit3A_309 : i32
      %rem3A = arith.remsi %while3A_307, %select_n3A_312 : i32
      %ne3A = arith.constant 0 : i32
      %ne3A_313 = arith.cmpi ne, %rem3A, %ne3A : i32
      %lt3A_314 = arith.constant 0 : i32
      %lt3A_315 = arith.cmpi slt, %rem3A, %lt3A_314 : i32
      %lt3A_316 = arith.constant 0 : i32
      %lt3A_317 = arith.cmpi slt, %select_n3A_312, %lt3A_316 : i32
      %ne3A_318 = arith.xori %lt3A_315, %lt3A_317 : i1
      %and3A = arith.andi %ne3A_318, %ne3A_313 : i1
      %add3A_319 = arith.addi %rem3A, %select_n3A_312 : i32
      %select_n3A_320 = arith.select %and3A, %add3A_319, %rem3A : i32
      %jit3A_321 = arith.constant 3 : i32
      %eq3A_322 = arith.constant 0 : i32
      %eq3A_323 = arith.cmpi eq, %jit3A_321, %eq3A_322 : i32
      %jit3A_324 = arith.constant 1 : i32
      %select_n3A_325 = arith.select %eq3A_323, %jit3A_324, %jit3A_321 : i32
      %rem3A_326 = arith.remsi %while3A_307, %select_n3A_325 : i32
      %ne3A_327 = arith.constant 0 : i32
      %ne3A_328 = arith.cmpi ne, %rem3A_326, %ne3A_327 : i32
      %lt3A_329 = arith.constant 0 : i32
      %lt3A_330 = arith.cmpi slt, %rem3A_326, %lt3A_329 : i32
      %lt3A_331 = arith.constant 0 : i32
      %lt3A_332 = arith.cmpi slt, %select_n3A_325, %lt3A_331 : i32
      %ne3A_333 = arith.xori %lt3A_330, %lt3A_332 : i1
      %and3A_334 = arith.andi %ne3A_333, %ne3A_328 : i1
      %add3A_335 = arith.addi %rem3A_326, %select_n3A_325 : i32
      %select_n3A_336 = arith.select %and3A_334, %add3A_335, %rem3A_326 : i32
      %dma_wait3A_337 = arith.constant 0 : i32
      %dma_wait3A_338 = arith.constant 0 : i32
      %dma_wait3A_339 = tpu.memref_slice %arg6[%select_n3A_320, %dma_wait3A_337, %dma_wait3A_338] : memref<3x128x128xf32, #tpu.memory_space<vmem>> -> memref<1x128x128xf32, #tpu.memory_space<vmem>>
      %dma_wait3A_340 = tpu.memref_squeeze %dma_wait3A_339 : memref<1x128x128xf32, #tpu.memory_space<vmem>> -> memref<128x128xf32, #tpu.memory_space<vmem>>
      %dma_wait3A_341 = arith.constant 0 : i32
      %dma_wait3A_342 = arith.constant 0 : i32
      %dma_wait3A_343 = tpu.memref_slice %arg7[%dma_wait3A_341, %dma_wait3A_342] : memref<10000x128xf32, #tpu.memory_space<vmem_shared>> -> memref<128x128xf32, #tpu.memory_space<vmem_shared>>
      %dma_wait3A_344 = tpu.memref_slice %arg9[%select_n3A_336] : memref<3x!tpu.dma_semaphore, #tpu.memory_space<semaphore_mem>> -> memref<1x!tpu.dma_semaphore, #tpu.memory_space<semaphore_mem>>
      %dma_wait3A_345 = tpu.memref_squeeze %dma_wait3A_344 : memref<1x!tpu.dma_semaphore, #tpu.memory_space<semaphore_mem>> -> memref<!tpu.dma_semaphore, #tpu.memory_space<semaphore_mem>>
      %dma_wait3A_346 = arith.constant 0 : i32
      %dma_wait3A_347 = arith.constant 0 : i32
      %dma_wait3A_348 = tpu.memref_slice %arg7[%dma_wait3A_346, %dma_wait3A_347] : memref<10000x128xf32, #tpu.memory_space<vmem_shared>> -> memref<128x128xf32, #tpu.memory_space<vmem_shared>>
      %dma_wait3A_349 = arith.constant 0 : i32
      %dma_wait3A_350 = arith.constant 0 : i32
      %dma_wait3A_351 = tpu.memref_slice %arg6[%select_n3A_320, %dma_wait3A_349, %dma_wait3A_350] : memref<3x128x128xf32, #tpu.memory_space<vmem>> -> memref<1x128x128xf32, #tpu.memory_space<vmem>>
      %dma_wait3A_352 = tpu.memref_squeeze %dma_wait3A_351 : memref<1x128x128xf32, #tpu.memory_space<vmem>> -> memref<128x128xf32, #tpu.memory_space<vmem>>
      tpu.wait_dma2 semaphore(%dma_wait3A_345 : memref<!tpu.dma_semaphore, #tpu.memory_space<semaphore_mem>>) src(%dma_wait3A_352 : memref<128x128xf32, #tpu.memory_space<vmem>>) dst(%dma_wait3A_348 : memref<128x128xf32, #tpu.memory_space<vmem_shared>>)
      %while3A_353 = arith.constant 0 : i32
      scf.yield %while3A_353 : i32
    }
    %while3A_232 = arith.constant 1 : i32
    %while3A_233 = scf.for %while3A_307 = %while3A_229 to %while3A_225 step %while3A_232 iter_args(%while3A_308 = %while3A_231) -> (i32)  : i32 {
      %jit3A_309 = arith.constant 3 : i32
      %eq3A = arith.constant 0 : i32
      %eq3A_310 = arith.cmpi eq, %jit3A_309, %eq3A : i32
      %jit3A_311 = arith.constant 1 : i32
      %select_n3A_312 = arith.select %eq3A_310, %jit3A_311, %jit3A_309 : i32
      %rem3A = arith.remsi %while3A_307, %select_n3A_312 : i32
      %ne3A = arith.constant 0 : i32
      %ne3A_313 = arith.cmpi ne, %rem3A, %ne3A : i32
      %lt3A_314 = arith.constant 0 : i32
      %lt3A_315 = arith.cmpi slt, %rem3A, %lt3A_314 : i32
      %lt3A_316 = arith.constant 0 : i32
      %lt3A_317 = arith.cmpi slt, %select_n3A_312, %lt3A_316 : i32
      %ne3A_318 = arith.xori %lt3A_315, %lt3A_317 : i1
      %and3A = arith.andi %ne3A_318, %ne3A_313 : i1
      %add3A_319 = arith.addi %rem3A, %select_n3A_312 : i32
      %select_n3A_320 = arith.select %and3A, %add3A_319, %rem3A : i32
      %jit3A_321 = arith.constant 3 : i32
      %eq3A_322 = arith.constant 0 : i32
      %eq3A_323 = arith.cmpi eq, %jit3A_321, %eq3A_322 : i32
      %jit3A_324 = arith.constant 1 : i32
      %select_n3A_325 = arith.select %eq3A_323, %jit3A_324, %jit3A_321 : i32
      %rem3A_326 = arith.remsi %while3A_307, %select_n3A_325 : i32
      %ne3A_327 = arith.constant 0 : i32
      %ne3A_328 = arith.cmpi ne, %rem3A_326, %ne3A_327 : i32
      %lt3A_329 = arith.constant 0 : i32
      %lt3A_330 = arith.cmpi slt, %rem3A_326, %lt3A_329 : i32
      %lt3A_331 = arith.constant 0 : i32
      %lt3A_332 = arith.cmpi slt, %select_n3A_325, %lt3A_331 : i32
      %ne3A_333 = arith.xori %lt3A_330, %lt3A_332 : i1
      %and3A_334 = arith.andi %ne3A_333, %ne3A_328 : i1
      %add3A_335 = arith.addi %rem3A_326, %select_n3A_325 : i32
      %select_n3A_336 = arith.select %and3A_334, %add3A_335, %rem3A_326 : i32
      %dma_wait3A_337 = arith.constant 0 : i32
      %dma_wait3A_338 = arith.constant 0 : i32
      %dma_wait3A_339 = tpu.memref_slice %arg6[%select_n3A_320, %dma_wait3A_337, %dma_wait3A_338] : memref<3x128x128xf32, #tpu.memory_space<vmem>> -> memref<1x128x128xf32, #tpu.memory_space<vmem>>
      %dma_wait3A_340 = tpu.memref_squeeze %dma_wait3A_339 : memref<1x128x128xf32, #tpu.memory_space<vmem>> -> memref<128x128xf32, #tpu.memory_space<vmem>>
      %dma_wait3A_341 = arith.constant 0 : i32
      %dma_wait3A_342 = arith.constant 0 : i32
      %dma_wait3A_343 = tpu.memref_slice %arg7[%dma_wait3A_341, %dma_wait3A_342] : memref<10000x128xf32, #tpu.memory_space<vmem_shared>> -> memref<128x128xf32, #tpu.memory_space<vmem_shared>>
      %dma_wait3A_344 = tpu.memref_slice %arg9[%select_n3A_336] : memref<3x!tpu.dma_semaphore, #tpu.memory_space<semaphore_mem>> -> memref<1x!tpu.dma_semaphore, #tpu.memory_space<semaphore_mem>>
      %dma_wait3A_345 = tpu.memref_squeeze %dma_wait3A_344 : memref<1x!tpu.dma_semaphore, #tpu.memory_space<semaphore_mem>> -> memref<!tpu.dma_semaphore, #tpu.memory_space<semaphore_mem>>
      %dma_wait3A_346 = arith.constant 0 : i32
      %dma_wait3A_347 = arith.constant 0 : i32
      %dma_wait3A_348 = tpu.memref_slice %arg7[%dma_wait3A_346, %dma_wait3A_347] : memref<10000x128xf32, #tpu.memory_space<vmem_shared>> -> memref<128x128xf32, #tpu.memory_space<vmem_shared>>
      %dma_wait3A_349 = arith.constant 0 : i32
      %dma_wait3A_350 = arith.constant 0 : i32
      %dma_wait3A_351 = tpu.memref_slice %arg6[%select_n3A_320, %dma_wait3A_349, %dma_wait3A_350] : memref<3x128x128xf32, #tpu.memory_space<vmem>> -> memref<1x128x128xf32, #tpu.memory_space<vmem>>
      %dma_wait3A_352 = tpu.memref_squeeze %dma_wait3A_351 : memref<1x128x128xf32, #tpu.memory_space<vmem>> -> memref<128x128xf32, #tpu.memory_space<vmem>>
      tpu.wait_dma2 semaphore(%dma_wait3A_345 : memref<!tpu.dma_semaphore, #tpu.memory_space<semaphore_mem>>) src(%dma_wait3A_352 : memref<128x128xf32, #tpu.memory_space<vmem>>) dst(%dma_wait3A_348 : memref<128x128xf32, #tpu.memory_space<vmem_shared>>)
      %while3A_353 = arith.constant 0 : i32
      scf.yield %while3A_353 : i32
    }
    %barrier3A_234 = arith.constant 0 : index
    tpu.barrier barrier_id(%barrier3A_234)
    %mul3A_235 = arith.constant 8 : i32
    %mul3A_236 = arith.muli %arg1, %mul3A_235 : i32
    %add3A_237 = arith.constant 0 : i32
    %add3A_238 = arith.addi %mul3A_236, %add3A_237 : i32
    %lt3A_239 = arith.constant 125 : i32
    %lt3A_240 = arith.cmpi slt, %add3A_238, %lt3A_239 : i32
    %convert_element_type3A_241 = arith.extui %lt3A_240 : i1 to i32
    %cond3A_242 = arith.constant 0 : i32
    %cond3A_243 = arith.cmpi ne, %convert_element_type3A_241, %cond3A_242 : i32
    scf.if %cond3A_243 {
      %mul3A_307 = arith.constant 80 : i32
      %mul3A_308 = arith.muli %add3A_238, %mul3A_307 : i32
      %mul3A_309 = arith.constant 80 : i32
      %mul3A_310 = arith.muli %add3A_238, %mul3A_309 : i32
      "tpu.region"() ({
        %run_scoped3A = tpu.sem_alloc : memref<!tpu.dma_semaphore, #tpu.memory_space<semaphore_mem>>
        %dma_start3A_311 = arith.constant 0 : i32
        %dma_start3A_312 = tpu.memref_slice %arg4[%arg0, %mul3A_310, %dma_start3A_311] : memref<2x10000x128xf32, #tpu.memory_space<hbm>> -> memref<1x80x128xf32, #tpu.memory_space<hbm>>
        %dma_start3A_313 = tpu.memref_squeeze %dma_start3A_312 : memref<1x80x128xf32, #tpu.memory_space<hbm>> -> memref<80x128xf32, #tpu.memory_space<hbm>>
        %dma_start3A_314 = arith.constant 0 : i32
        %dma_start3A_315 = tpu.memref_slice %arg7[%mul3A_308, %dma_start3A_314] : memref<10000x128xf32, #tpu.memory_space<vmem_shared>> -> memref<80x128xf32, #tpu.memory_space<vmem_shared>>
        tpu.enqueue_dma source(%dma_start3A_315 : memref<80x128xf32, #tpu.memory_space<vmem_shared>>) target(%dma_start3A_313 : memref<80x128xf32, #tpu.memory_space<hbm>>) target_semaphore(%run_scoped3A : memref<!tpu.dma_semaphore, #tpu.memory_space<semaphore_mem>>)
        %dma_wait3A_316 = arith.constant 0 : i32
        %dma_wait3A_317 = tpu.memref_slice %arg4[%arg0, %mul3A_310, %dma_wait3A_316] : memref<2x10000x128xf32, #tpu.memory_space<hbm>> -> memref<1x80x128xf32, #tpu.memory_space<hbm>>
        %dma_wait3A_318 = tpu.memref_squeeze %dma_wait3A_317 : memref<1x80x128xf32, #tpu.memory_space<hbm>> -> memref<80x128xf32, #tpu.memory_space<hbm>>
        %dma_wait3A_319 = arith.constant 0 : i32
        %dma_wait3A_320 = tpu.memref_slice %arg7[%mul3A_308, %dma_wait3A_319] : memref<10000x128xf32, #tpu.memory_space<vmem_shared>> -> memref<80x128xf32, #tpu.memory_space<vmem_shared>>
        tpu.wait_dma2 semaphore(%run_scoped3A : memref<!tpu.dma_semaphore, #tpu.memory_space<semaphore_mem>>) src(%dma_wait3A_320 : memref<80x128xf32, #tpu.memory_space<vmem_shared>>) dst(%dma_wait3A_318 : memref<80x128xf32, #tpu.memory_space<hbm>>)
        tpu.yield
      }) : () -> ()
    } else {
    }
    %mul3A_244 = arith.constant 8 : i32
    %mul3A_245 = arith.muli %arg1, %mul3A_244 : i32
    %add3A_246 = arith.constant 1 : i32
    %add3A_247 = arith.addi %mul3A_245, %add3A_246 : i32
    %lt3A_248 = arith.constant 125 : i32
    %lt3A_249 = arith.cmpi slt, %add3A_247, %lt3A_248 : i32
    %convert_element_type3A_250 = arith.extui %lt3A_249 : i1 to i32
    %cond3A_251 = arith.constant 0 : i32
    %cond3A_252 = arith.cmpi ne, %convert_element_type3A_250, %cond3A_251 : i32
    scf.if %cond3A_252 {
      %mul3A_307 = arith.constant 80 : i32
      %mul3A_308 = arith.muli %add3A_247, %mul3A_307 : i32
      %mul3A_309 = arith.constant 80 : i32
      %mul3A_310 = arith.muli %add3A_247, %mul3A_309 : i32
      "tpu.region"() ({
        %run_scoped3A = tpu.sem_alloc : memref<!tpu.dma_semaphore, #tpu.memory_space<semaphore_mem>>
        %dma_start3A_311 = arith.constant 0 : i32
        %dma_start3A_312 = tpu.memref_slice %arg4[%arg0, %mul3A_310, %dma_start3A_311] : memref<2x10000x128xf32, #tpu.memory_space<hbm>> -> memref<1x80x128xf32, #tpu.memory_space<hbm>>
        %dma_start3A_313 = tpu.memref_squeeze %dma_start3A_312 : memref<1x80x128xf32, #tpu.memory_space<hbm>> -> memref<80x128xf32, #tpu.memory_space<hbm>>
        %dma_start3A_314 = arith.constant 0 : i32
        %dma_start3A_315 = tpu.memref_slice %arg7[%mul3A_308, %dma_start3A_314] : memref<10000x128xf32, #tpu.memory_space<vmem_shared>> -> memref<80x128xf32, #tpu.memory_space<vmem_shared>>
        tpu.enqueue_dma source(%dma_start3A_315 : memref<80x128xf32, #tpu.memory_space<vmem_shared>>) target(%dma_start3A_313 : memref<80x128xf32, #tpu.memory_space<hbm>>) target_semaphore(%run_scoped3A : memref<!tpu.dma_semaphore, #tpu.memory_space<semaphore_mem>>)
        %dma_wait3A_316 = arith.constant 0 : i32
        %dma_wait3A_317 = tpu.memref_slice %arg4[%arg0, %mul3A_310, %dma_wait3A_316] : memref<2x10000x128xf32, #tpu.memory_space<hbm>> -> memref<1x80x128xf32, #tpu.memory_space<hbm>>
        %dma_wait3A_318 = tpu.memref_squeeze %dma_wait3A_317 : memref<1x80x128xf32, #tpu.memory_space<hbm>> -> memref<80x128xf32, #tpu.memory_space<hbm>>
        %dma_wait3A_319 = arith.constant 0 : i32
        %dma_wait3A_320 = tpu.memref_slice %arg7[%mul3A_308, %dma_wait3A_319] : memref<10000x128xf32, #tpu.memory_space<vmem_shared>> -> memref<80x128xf32, #tpu.memory_space<vmem_shared>>
        tpu.wait_dma2 semaphore(%run_scoped3A : memref<!tpu.dma_semaphore, #tpu.memory_space<semaphore_mem>>) src(%dma_wait3A_320 : memref<80x128xf32, #tpu.memory_space<vmem_shared>>) dst(%dma_wait3A_318 : memref<80x128xf32, #tpu.memory_space<hbm>>)
        tpu.yield
      }) : () -> ()
    } else {
    }
    %mul3A_253 = arith.constant 8 : i32
    %mul3A_254 = arith.muli %arg1, %mul3A_253 : i32
    %add3A_255 = arith.constant 2 : i32
    %add3A_256 = arith.addi %mul3A_254, %add3A_255 : i32
    %lt3A_257 = arith.constant 125 : i32
    %lt3A_258 = arith.cmpi slt, %add3A_256, %lt3A_257 : i32
    %convert_element_type3A_259 = arith.extui %lt3A_258 : i1 to i32
    %cond3A_260 = arith.constant 0 : i32
    %cond3A_261 = arith.cmpi ne, %convert_element_type3A_259, %cond3A_260 : i32
    scf.if %cond3A_261 {
      %mul3A_307 = arith.constant 80 : i32
      %mul3A_308 = arith.muli %add3A_256, %mul3A_307 : i32
      %mul3A_309 = arith.constant 80 : i32
      %mul3A_310 = arith.muli %add3A_256, %mul3A_309 : i32
      "tpu.region"() ({
        %run_scoped3A = tpu.sem_alloc : memref<!tpu.dma_semaphore, #tpu.memory_space<semaphore_mem>>
        %dma_start3A_311 = arith.constant 0 : i32
        %dma_start3A_312 = tpu.memref_slice %arg4[%arg0, %mul3A_310, %dma_start3A_311] : memref<2x10000x128xf32, #tpu.memory_space<hbm>> -> memref<1x80x128xf32, #tpu.memory_space<hbm>>
        %dma_start3A_313 = tpu.memref_squeeze %dma_start3A_312 : memref<1x80x128xf32, #tpu.memory_space<hbm>> -> memref<80x128xf32, #tpu.memory_space<hbm>>
        %dma_start3A_314 = arith.constant 0 : i32
        %dma_start3A_315 = tpu.memref_slice %arg7[%mul3A_308, %dma_start3A_314] : memref<10000x128xf32, #tpu.memory_space<vmem_shared>> -> memref<80x128xf32, #tpu.memory_space<vmem_shared>>
        tpu.enqueue_dma source(%dma_start3A_315 : memref<80x128xf32, #tpu.memory_space<vmem_shared>>) target(%dma_start3A_313 : memref<80x128xf32, #tpu.memory_space<hbm>>) target_semaphore(%run_scoped3A : memref<!tpu.dma_semaphore, #tpu.memory_space<semaphore_mem>>)
        %dma_wait3A_316 = arith.constant 0 : i32
        %dma_wait3A_317 = tpu.memref_slice %arg4[%arg0, %mul3A_310, %dma_wait3A_316] : memref<2x10000x128xf32, #tpu.memory_space<hbm>> -> memref<1x80x128xf32, #tpu.memory_space<hbm>>
        %dma_wait3A_318 = tpu.memref_squeeze %dma_wait3A_317 : memref<1x80x128xf32, #tpu.memory_space<hbm>> -> memref<80x128xf32, #tpu.memory_space<hbm>>
        %dma_wait3A_319 = arith.constant 0 : i32
        %dma_wait3A_320 = tpu.memref_slice %arg7[%mul3A_308, %dma_wait3A_319] : memref<10000x128xf32, #tpu.memory_space<vmem_shared>> -> memref<80x128xf32, #tpu.memory_space<vmem_shared>>
        tpu.wait_dma2 semaphore(%run_scoped3A : memref<!tpu.dma_semaphore, #tpu.memory_space<semaphore_mem>>) src(%dma_wait3A_320 : memref<80x128xf32, #tpu.memory_space<vmem_shared>>) dst(%dma_wait3A_318 : memref<80x128xf32, #tpu.memory_space<hbm>>)
        tpu.yield
      }) : () -> ()
    } else {
    }
    %mul3A_262 = arith.constant 8 : i32
    %mul3A_263 = arith.muli %arg1, %mul3A_262 : i32
    %add3A_264 = arith.constant 3 : i32
    %add3A_265 = arith.addi %mul3A_263, %add3A_264 : i32
    %lt3A_266 = arith.constant 125 : i32
    %lt3A_267 = arith.cmpi slt, %add3A_265, %lt3A_266 : i32
    %convert_element_type3A_268 = arith.extui %lt3A_267 : i1 to i32
    %cond3A_269 = arith.constant 0 : i32
    %cond3A_270 = arith.cmpi ne, %convert_element_type3A_268, %cond3A_269 : i32
    scf.if %cond3A_270 {
      %mul3A_307 = arith.constant 80 : i32
      %mul3A_308 = arith.muli %add3A_265, %mul3A_307 : i32
      %mul3A_309 = arith.constant 80 : i32
      %mul3A_310 = arith.muli %add3A_265, %mul3A_309 : i32
      "tpu.region"() ({
        %run_scoped3A = tpu.sem_alloc : memref<!tpu.dma_semaphore, #tpu.memory_space<semaphore_mem>>
        %dma_start3A_311 = arith.constant 0 : i32
        %dma_start3A_312 = tpu.memref_slice %arg4[%arg0, %mul3A_310, %dma_start3A_311] : memref<2x10000x128xf32, #tpu.memory_space<hbm>> -> memref<1x80x128xf32, #tpu.memory_space<hbm>>
        %dma_start3A_313 = tpu.memref_squeeze %dma_start3A_312 : memref<1x80x128xf32, #tpu.memory_space<hbm>> -> memref<80x128xf32, #tpu.memory_space<hbm>>
        %dma_start3A_314 = arith.constant 0 : i32
        %dma_start3A_315 = tpu.memref_slice %arg7[%mul3A_308, %dma_start3A_314] : memref<10000x128xf32, #tpu.memory_space<vmem_shared>> -> memref<80x128xf32, #tpu.memory_space<vmem_shared>>
        tpu.enqueue_dma source(%dma_start3A_315 : memref<80x128xf32, #tpu.memory_space<vmem_shared>>) target(%dma_start3A_313 : memref<80x128xf32, #tpu.memory_space<hbm>>) target_semaphore(%run_scoped3A : memref<!tpu.dma_semaphore, #tpu.memory_space<semaphore_mem>>)
        %dma_wait3A_316 = arith.constant 0 : i32
        %dma_wait3A_317 = tpu.memref_slice %arg4[%arg0, %mul3A_310, %dma_wait3A_316] : memref<2x10000x128xf32, #tpu.memory_space<hbm>> -> memref<1x80x128xf32, #tpu.memory_space<hbm>>
        %dma_wait3A_318 = tpu.memref_squeeze %dma_wait3A_317 : memref<1x80x128xf32, #tpu.memory_space<hbm>> -> memref<80x128xf32, #tpu.memory_space<hbm>>
        %dma_wait3A_319 = arith.constant 0 : i32
        %dma_wait3A_320 = tpu.memref_slice %arg7[%mul3A_308, %dma_wait3A_319] : memref<10000x128xf32, #tpu.memory_space<vmem_shared>> -> memref<80x128xf32, #tpu.memory_space<vmem_shared>>
        tpu.wait_dma2 semaphore(%run_scoped3A : memref<!tpu.dma_semaphore, #tpu.memory_space<semaphore_mem>>) src(%dma_wait3A_320 : memref<80x128xf32, #tpu.memory_space<vmem_shared>>) dst(%dma_wait3A_318 : memref<80x128xf32, #tpu.memory_space<hbm>>)
        tpu.yield
      }) : () -> ()
    } else {
    }
    %mul3A_271 = arith.constant 8 : i32
    %mul3A_272 = arith.muli %arg1, %mul3A_271 : i32
    %add3A_273 = arith.constant 4 : i32
    %add3A_274 = arith.addi %mul3A_272, %add3A_273 : i32
    %lt3A_275 = arith.constant 125 : i32
    %lt3A_276 = arith.cmpi slt, %add3A_274, %lt3A_275 : i32
    %convert_element_type3A_277 = arith.extui %lt3A_276 : i1 to i32
    %cond3A_278 = arith.constant 0 : i32
    %cond3A_279 = arith.cmpi ne, %convert_element_type3A_277, %cond3A_278 : i32
    scf.if %cond3A_279 {
      %mul3A_307 = arith.constant 80 : i32
      %mul3A_308 = arith.muli %add3A_274, %mul3A_307 : i32
      %mul3A_309 = arith.constant 80 : i32
      %mul3A_310 = arith.muli %add3A_274, %mul3A_309 : i32
      "tpu.region"() ({
        %run_scoped3A = tpu.sem_alloc : memref<!tpu.dma_semaphore, #tpu.memory_space<semaphore_mem>>
        %dma_start3A_311 = arith.constant 0 : i32
        %dma_start3A_312 = tpu.memref_slice %arg4[%arg0, %mul3A_310, %dma_start3A_311] : memref<2x10000x128xf32, #tpu.memory_space<hbm>> -> memref<1x80x128xf32, #tpu.memory_space<hbm>>
        %dma_start3A_313 = tpu.memref_squeeze %dma_start3A_312 : memref<1x80x128xf32, #tpu.memory_space<hbm>> -> memref<80x128xf32, #tpu.memory_space<hbm>>
        %dma_start3A_314 = arith.constant 0 : i32
        %dma_start3A_315 = tpu.memref_slice %arg7[%mul3A_308, %dma_start3A_314] : memref<10000x128xf32, #tpu.memory_space<vmem_shared>> -> memref<80x128xf32, #tpu.memory_space<vmem_shared>>
        tpu.enqueue_dma source(%dma_start3A_315 : memref<80x128xf32, #tpu.memory_space<vmem_shared>>) target(%dma_start3A_313 : memref<80x128xf32, #tpu.memory_space<hbm>>) target_semaphore(%run_scoped3A : memref<!tpu.dma_semaphore, #tpu.memory_space<semaphore_mem>>)
        %dma_wait3A_316 = arith.constant 0 : i32
        %dma_wait3A_317 = tpu.memref_slice %arg4[%arg0, %mul3A_310, %dma_wait3A_316] : memref<2x10000x128xf32, #tpu.memory_space<hbm>> -> memref<1x80x128xf32, #tpu.memory_space<hbm>>
        %dma_wait3A_318 = tpu.memref_squeeze %dma_wait3A_317 : memref<1x80x128xf32, #tpu.memory_space<hbm>> -> memref<80x128xf32, #tpu.memory_space<hbm>>
        %dma_wait3A_319 = arith.constant 0 : i32
        %dma_wait3A_320 = tpu.memref_slice %arg7[%mul3A_308, %dma_wait3A_319] : memref<10000x128xf32, #tpu.memory_space<vmem_shared>> -> memref<80x128xf32, #tpu.memory_space<vmem_shared>>
        tpu.wait_dma2 semaphore(%run_scoped3A : memref<!tpu.dma_semaphore, #tpu.memory_space<semaphore_mem>>) src(%dma_wait3A_320 : memref<80x128xf32, #tpu.memory_space<vmem_shared>>) dst(%dma_wait3A_318 : memref<80x128xf32, #tpu.memory_space<hbm>>)
        tpu.yield
      }) : () -> ()
    } else {
    }
    %mul3A_280 = arith.constant 8 : i32
    %mul3A_281 = arith.muli %arg1, %mul3A_280 : i32
    %add3A_282 = arith.constant 5 : i32
    %add3A_283 = arith.addi %mul3A_281, %add3A_282 : i32
    %lt3A_284 = arith.constant 125 : i32
    %lt3A_285 = arith.cmpi slt, %add3A_283, %lt3A_284 : i32
    %convert_element_type3A_286 = arith.extui %lt3A_285 : i1 to i32
    %cond3A_287 = arith.constant 0 : i32
    %cond3A_288 = arith.cmpi ne, %convert_element_type3A_286, %cond3A_287 : i32
    scf.if %cond3A_288 {
      %mul3A_307 = arith.constant 80 : i32
      %mul3A_308 = arith.muli %add3A_283, %mul3A_307 : i32
      %mul3A_309 = arith.constant 80 : i32
      %mul3A_310 = arith.muli %add3A_283, %mul3A_309 : i32
      "tpu.region"() ({
        %run_scoped3A = tpu.sem_alloc : memref<!tpu.dma_semaphore, #tpu.memory_space<semaphore_mem>>
        %dma_start3A_311 = arith.constant 0 : i32
        %dma_start3A_312 = tpu.memref_slice %arg4[%arg0, %mul3A_310, %dma_start3A_311] : memref<2x10000x128xf32, #tpu.memory_space<hbm>> -> memref<1x80x128xf32, #tpu.memory_space<hbm>>
        %dma_start3A_313 = tpu.memref_squeeze %dma_start3A_312 : memref<1x80x128xf32, #tpu.memory_space<hbm>> -> memref<80x128xf32, #tpu.memory_space<hbm>>
        %dma_start3A_314 = arith.constant 0 : i32
        %dma_start3A_315 = tpu.memref_slice %arg7[%mul3A_308, %dma_start3A_314] : memref<10000x128xf32, #tpu.memory_space<vmem_shared>> -> memref<80x128xf32, #tpu.memory_space<vmem_shared>>
        tpu.enqueue_dma source(%dma_start3A_315 : memref<80x128xf32, #tpu.memory_space<vmem_shared>>) target(%dma_start3A_313 : memref<80x128xf32, #tpu.memory_space<hbm>>) target_semaphore(%run_scoped3A : memref<!tpu.dma_semaphore, #tpu.memory_space<semaphore_mem>>)
        %dma_wait3A_316 = arith.constant 0 : i32
        %dma_wait3A_317 = tpu.memref_slice %arg4[%arg0, %mul3A_310, %dma_wait3A_316] : memref<2x10000x128xf32, #tpu.memory_space<hbm>> -> memref<1x80x128xf32, #tpu.memory_space<hbm>>
        %dma_wait3A_318 = tpu.memref_squeeze %dma_wait3A_317 : memref<1x80x128xf32, #tpu.memory_space<hbm>> -> memref<80x128xf32, #tpu.memory_space<hbm>>
        %dma_wait3A_319 = arith.constant 0 : i32
        %dma_wait3A_320 = tpu.memref_slice %arg7[%mul3A_308, %dma_wait3A_319] : memref<10000x128xf32, #tpu.memory_space<vmem_shared>> -> memref<80x128xf32, #tpu.memory_space<vmem_shared>>
        tpu.wait_dma2 semaphore(%run_scoped3A : memref<!tpu.dma_semaphore, #tpu.memory_space<semaphore_mem>>) src(%dma_wait3A_320 : memref<80x128xf32, #tpu.memory_space<vmem_shared>>) dst(%dma_wait3A_318 : memref<80x128xf32, #tpu.memory_space<hbm>>)
        tpu.yield
      }) : () -> ()
    } else {
    }
    %mul3A_289 = arith.constant 8 : i32
    %mul3A_290 = arith.muli %arg1, %mul3A_289 : i32
    %add3A_291 = arith.constant 6 : i32
    %add3A_292 = arith.addi %mul3A_290, %add3A_291 : i32
    %lt3A_293 = arith.constant 125 : i32
    %lt3A_294 = arith.cmpi slt, %add3A_292, %lt3A_293 : i32
    %convert_element_type3A_295 = arith.extui %lt3A_294 : i1 to i32
    %cond3A_296 = arith.constant 0 : i32
    %cond3A_297 = arith.cmpi ne, %convert_element_type3A_295, %cond3A_296 : i32
    scf.if %cond3A_297 {
      %mul3A_307 = arith.constant 80 : i32
      %mul3A_308 = arith.muli %add3A_292, %mul3A_307 : i32
      %mul3A_309 = arith.constant 80 : i32
      %mul3A_310 = arith.muli %add3A_292, %mul3A_309 : i32
      "tpu.region"() ({
        %run_scoped3A = tpu.sem_alloc : memref<!tpu.dma_semaphore, #tpu.memory_space<semaphore_mem>>
        %dma_start3A_311 = arith.constant 0 : i32
        %dma_start3A_312 = tpu.memref_slice %arg4[%arg0, %mul3A_310, %dma_start3A_311] : memref<2x10000x128xf32, #tpu.memory_space<hbm>> -> memref<1x80x128xf32, #tpu.memory_space<hbm>>
        %dma_start3A_313 = tpu.memref_squeeze %dma_start3A_312 : memref<1x80x128xf32, #tpu.memory_space<hbm>> -> memref<80x128xf32, #tpu.memory_space<hbm>>
        %dma_start3A_314 = arith.constant 0 : i32
        %dma_start3A_315 = tpu.memref_slice %arg7[%mul3A_308, %dma_start3A_314] : memref<10000x128xf32, #tpu.memory_space<vmem_shared>> -> memref<80x128xf32, #tpu.memory_space<vmem_shared>>
        tpu.enqueue_dma source(%dma_start3A_315 : memref<80x128xf32, #tpu.memory_space<vmem_shared>>) target(%dma_start3A_313 : memref<80x128xf32, #tpu.memory_space<hbm>>) target_semaphore(%run_scoped3A : memref<!tpu.dma_semaphore, #tpu.memory_space<semaphore_mem>>)
        %dma_wait3A_316 = arith.constant 0 : i32
        %dma_wait3A_317 = tpu.memref_slice %arg4[%arg0, %mul3A_310, %dma_wait3A_316] : memref<2x10000x128xf32, #tpu.memory_space<hbm>> -> memref<1x80x128xf32, #tpu.memory_space<hbm>>
        %dma_wait3A_318 = tpu.memref_squeeze %dma_wait3A_317 : memref<1x80x128xf32, #tpu.memory_space<hbm>> -> memref<80x128xf32, #tpu.memory_space<hbm>>
        %dma_wait3A_319 = arith.constant 0 : i32
        %dma_wait3A_320 = tpu.memref_slice %arg7[%mul3A_308, %dma_wait3A_319] : memref<10000x128xf32, #tpu.memory_space<vmem_shared>> -> memref<80x128xf32, #tpu.memory_space<vmem_shared>>
        tpu.wait_dma2 semaphore(%run_scoped3A : memref<!tpu.dma_semaphore, #tpu.memory_space<semaphore_mem>>) src(%dma_wait3A_320 : memref<80x128xf32, #tpu.memory_space<vmem_shared>>) dst(%dma_wait3A_318 : memref<80x128xf32, #tpu.memory_space<hbm>>)
        tpu.yield
      }) : () -> ()
    } else {
    }
    %mul3A_298 = arith.constant 8 : i32
    %mul3A_299 = arith.muli %arg1, %mul3A_298 : i32
    %add3A_300 = arith.constant 7 : i32
    %add3A_301 = arith.addi %mul3A_299, %add3A_300 : i32
    %lt3A_302 = arith.constant 125 : i32
    %lt3A_303 = arith.cmpi slt, %add3A_301, %lt3A_302 : i32
    %convert_element_type3A_304 = arith.extui %lt3A_303 : i1 to i32
    %cond3A_305 = arith.constant 0 : i32
    %cond3A_306 = arith.cmpi ne, %convert_element_type3A_304, %cond3A_305 : i32
    scf.if %cond3A_306 {
      %mul3A_307 = arith.constant 80 : i32
      %mul3A_308 = arith.muli %add3A_301, %mul3A_307 : i32
      %mul3A_309 = arith.constant 80 : i32
      %mul3A_310 = arith.muli %add3A_301, %mul3A_309 : i32
      "tpu.region"() ({
        %run_scoped3A = tpu.sem_alloc : memref<!tpu.dma_semaphore, #tpu.memory_space<semaphore_mem>>
        %dma_start3A_311 = arith.constant 0 : i32
        %dma_start3A_312 = tpu.memref_slice %arg4[%arg0, %mul3A_310, %dma_start3A_311] : memref<2x10000x128xf32, #tpu.memory_space<hbm>> -> memref<1x80x128xf32, #tpu.memory_space<hbm>>
        %dma_start3A_313 = tpu.memref_squeeze %dma_start3A_312 : memref<1x80x128xf32, #tpu.memory_space<hbm>> -> memref<80x128xf32, #tpu.memory_space<hbm>>
        %dma_start3A_314 = arith.constant 0 : i32
        %dma_start3A_315 = tpu.memref_slice %arg7[%mul3A_308, %dma_start3A_314] : memref<10000x128xf32, #tpu.memory_space<vmem_shared>> -> memref<80x128xf32, #tpu.memory_space<vmem_shared>>
        tpu.enqueue_dma source(%dma_start3A_315 : memref<80x128xf32, #tpu.memory_space<vmem_shared>>) target(%dma_start3A_313 : memref<80x128xf32, #tpu.memory_space<hbm>>) target_semaphore(%run_scoped3A : memref<!tpu.dma_semaphore, #tpu.memory_space<semaphore_mem>>)
        %dma_wait3A_316 = arith.constant 0 : i32
        %dma_wait3A_317 = tpu.memref_slice %arg4[%arg0, %mul3A_310, %dma_wait3A_316] : memref<2x10000x128xf32, #tpu.memory_space<hbm>> -> memref<1x80x128xf32, #tpu.memory_space<hbm>>
        %dma_wait3A_318 = tpu.memref_squeeze %dma_wait3A_317 : memref<1x80x128xf32, #tpu.memory_space<hbm>> -> memref<80x128xf32, #tpu.memory_space<hbm>>
        %dma_wait3A_319 = arith.constant 0 : i32
        %dma_wait3A_320 = tpu.memref_slice %arg7[%mul3A_308, %dma_wait3A_319] : memref<10000x128xf32, #tpu.memory_space<vmem_shared>> -> memref<80x128xf32, #tpu.memory_space<vmem_shared>>
        tpu.wait_dma2 semaphore(%run_scoped3A : memref<!tpu.dma_semaphore, #tpu.memory_space<semaphore_mem>>) src(%dma_wait3A_320 : memref<80x128xf32, #tpu.memory_space<vmem_shared>>) dst(%dma_wait3A_318 : memref<80x128xf32, #tpu.memory_space<hbm>>)
        tpu.yield
      }) : () -> ()
    } else {
    }
    return
  }
}

module attributes {stable_mosaic.version = 14 : i64} {
  func.func @_epilogue_body(%arg0: i32, %arg1: memref<2x5000x128xf32, #tpu.memory_space<vmem>>, %arg2: memref<5000x1xf32, #tpu.memory_space<vmem>>, %arg3: memref<1x128xf32, #tpu.memory_space<vmem>>, %arg4: memref<5000x128xf32, #tpu.memory_space<vmem>>) attributes {dimension_semantics = [#tpu.dimension_semantics<arbitrary>], iteration_bounds = array<i64: 2>, scalar_prefetch = 0 : i64, scratch_operands = 0 : i64, tpu.core_type = #tpu.core_type<tc>, window_params = [{transform_indices = @transform_0, window_bounds = array<i64: 2, 5000, 128>}, {transform_indices = @transform_1, window_bounds = array<i64: 5000, 1>}, {pipeline_mode = #tpu.pipeline_mode<synchronous>, transform_indices = @transform_2, window_bounds = array<i64: 1, 128>}, {transform_indices = @transform_3, window_bounds = array<i64: 5000, 128>}]} {
    %get3A = arith.constant 0 : index
    %get3A_0 = arith.constant 0 : index
    %get3A_1 = arith.constant 0 : index
    %get3A_2 = vector.load %arg1[%get3A, %get3A_0, %get3A_1] : memref<2x5000x128xf32, #tpu.memory_space<vmem>>, vector<1x5000x128xf32>
    %get3A_3 = vector.shape_cast %get3A_2 : vector<1x5000x128xf32> to vector<5000x128xf32>
    %get3A_4 = arith.constant 1 : index
    %get3A_5 = arith.constant 0 : index
    %get3A_6 = arith.constant 0 : index
    %get3A_7 = vector.load %arg1[%get3A_4, %get3A_5, %get3A_6] : memref<2x5000x128xf32, #tpu.memory_space<vmem>>, vector<1x5000x128xf32>
    %get3A_8 = vector.shape_cast %get3A_7 : vector<1x5000x128xf32> to vector<5000x128xf32>
    %add3A = arith.addf %get3A_3, %get3A_8 : vector<5000x128xf32>
    %get3A_9 = arith.constant 0 : index
    %get3A_10 = arith.constant 0 : index
    %get3A_11 = vector.load %arg2[%get3A_9, %get3A_10] : memref<5000x1xf32, #tpu.memory_space<vmem>>, vector<5000x1xf32>
    %mul3A = vector.broadcast %get3A_11 : vector<5000x1xf32> to vector<5000x128xf32>
    %mul3A_12 = arith.mulf %add3A, %mul3A : vector<5000x128xf32>
    %get3A_13 = arith.constant 0 : index
    %get3A_14 = arith.constant 0 : index
    %get3A_15 = vector.load %arg3[%get3A_13, %get3A_14] : memref<1x128xf32, #tpu.memory_space<vmem>>, vector<1x128xf32>
    %add3A_16 = vector.broadcast %get3A_15 : vector<1x128xf32> to vector<5000x128xf32>
    %add3A_17 = arith.addf %mul3A_12, %add3A_16 : vector<5000x128xf32>
    %ge3A = arith.constant 0.000000e+00 : f32
    %ge3A_18 = vector.broadcast %ge3A : f32 to vector<5000x128xf32>
    %ge3A_19 = arith.cmpf oge, %add3A_17, %ge3A_18 : vector<5000x128xf32>
    %mul3A_20 = arith.constant 2.000000e-01 : f32
    %mul3A_21 = vector.broadcast %mul3A_20 : f32 to vector<5000x128xf32>
    %mul3A_22 = arith.mulf %mul3A_21, %add3A_17 : vector<5000x128xf32>
    %select_n3A = arith.select %ge3A_19, %add3A_17, %mul3A_22 : vector<5000x128xi1>, vector<5000x128xf32>
    %swap3A = arith.constant 0 : index
    %swap3A_23 = arith.constant 0 : index
    %swap3A_24 = vector.load %arg4[%swap3A, %swap3A_23] : memref<5000x128xf32, #tpu.memory_space<vmem>>, vector<5000x128xf32>
    tpu.vector_store %arg4[%swap3A, %swap3A_23], %select_n3A {strides = array<i32>} : memref<5000x128xf32, #tpu.memory_space<vmem>>, vector<5000x128xf32>,
    return
  }
  func.func @transform_0(%arg0: i32) -> (i32, i32, i32) {
    %c0_i32 = arith.constant 0 : i32
    %c0_i32_0 = arith.constant 0 : i32
    %c0_i32_1 = arith.constant 0 : i32
    return %c0_i32, %arg0, %c0_i32_0 : i32, i32, i32
  }
  func.func @transform_1(%arg0: i32) -> (i32, i32) {
    %c0_i32 = arith.constant 0 : i32
    %c0_i32_0 = arith.constant 0 : i32
    return %arg0, %c0_i32 : i32, i32
  }
  func.func @transform_2(%arg0: i32) -> (i32, i32) {
    %c0_i32 = arith.constant 0 : i32
    %c0_i32_0 = arith.constant 0 : i32
    %c0_i32_1 = arith.constant 0 : i32
    return %c0_i32, %c0_i32_0 : i32, i32
  }
  func.func @transform_3(%arg0: i32) -> (i32, i32) {
    %c0_i32 = arith.constant 0 : i32
    %c0_i32_0 = arith.constant 0 : i32
    return %arg0, %c0_i32 : i32, i32
  }
}

module attributes {stable_mosaic.version = 14 : i64} {
  func.func @_mm_body(%arg0: i32, %arg1: memref<5000x128xf32, #tpu.memory_space<vmem>>, %arg2: memref<128x128xf32, #tpu.memory_space<vmem>>, %arg3: memref<5000x1xf32, #tpu.memory_space<vmem>>, %arg4: memref<5000x128xf32, #tpu.memory_space<vmem>>) attributes {dimension_semantics = [#tpu.dimension_semantics<arbitrary>], iteration_bounds = array<i64: 2>, scalar_prefetch = 0 : i64, scratch_operands = 0 : i64, tpu.core_type = #tpu.core_type<tc>, window_params = [{transform_indices = @transform_0, window_bounds = array<i64: 5000, 128>}, {pipeline_mode = #tpu.pipeline_mode<synchronous>, transform_indices = @transform_1, window_bounds = array<i64: 128, 128>}, {transform_indices = @transform_2, window_bounds = array<i64: 5000, 1>}, {transform_indices = @transform_3, window_bounds = array<i64: 5000, 128>}]} {
    %get3A = arith.constant 0 : index
    %get3A_0 = arith.constant 0 : index
    %get3A_1 = vector.load %arg1[%get3A, %get3A_0] : memref<5000x128xf32, #tpu.memory_space<vmem>>, vector<5000x128xf32>
    %get3A_2 = arith.constant 0 : index
    %get3A_3 = arith.constant 0 : index
    %get3A_4 = vector.load %arg2[%get3A_2, %get3A_3] : memref<128x128xf32, #tpu.memory_space<vmem>>, vector<128x128xf32>
    %dot_general3A = arith.constant dense<0.000000e+00> : vector<5000x128xf32>
    %dot_general3A_5 = tpu.matmul %get3A_1, %get3A_4, %dot_general3A {dimension_numbers = #tpu.dot_dimension_numbers<[1], [0], [0], [1], [0, 0, 1, 1], [], []>, transpose_lhs_hint = false} : vector<5000x128xf32>, vector<128x128xf32>, vector<5000x128xf32> -> vector<5000x128xf32>
    %get3A_6 = arith.constant 0 : index
    %get3A_7 = arith.constant 0 : index
    %get3A_8 = vector.load %arg3[%get3A_6, %get3A_7] : memref<5000x1xf32, #tpu.memory_space<vmem>>, vector<5000x1xf32>
    %mul3A = vector.broadcast %get3A_8 : vector<5000x1xf32> to vector<5000x128xf32>
    %mul3A_9 = arith.mulf %dot_general3A_5, %mul3A : vector<5000x128xf32>
    %swap3A = arith.constant 0 : index
    %swap3A_10 = arith.constant 0 : index
    %swap3A_11 = vector.load %arg4[%swap3A, %swap3A_10] : memref<5000x128xf32, #tpu.memory_space<vmem>>, vector<5000x128xf32>
    tpu.vector_store %arg4[%swap3A, %swap3A_10], %mul3A_9 {strides = array<i32>} : memref<5000x128xf32, #tpu.memory_space<vmem>>, vector<5000x128xf32>,
    return
  }
  func.func @transform_0(%arg0: i32) -> (i32, i32) {
    %c0_i32 = arith.constant 0 : i32
    %c0_i32_0 = arith.constant 0 : i32
    return %arg0, %c0_i32 : i32, i32
  }
  func.func @transform_1(%arg0: i32) -> (i32, i32) {
    %c0_i32 = arith.constant 0 : i32
    %c0_i32_0 = arith.constant 0 : i32
    %c0_i32_1 = arith.constant 0 : i32
    return %c0_i32, %c0_i32_0 : i32, i32
  }
  func.func @transform_2(%arg0: i32) -> (i32, i32) {
    %c0_i32 = arith.constant 0 : i32
    %c0_i32_0 = arith.constant 0 : i32
    return %arg0, %c0_i32 : i32, i32
  }
  func.func @transform_3(%arg0: i32) -> (i32, i32) {
    %c0_i32 = arith.constant 0 : i32
    %c0_i32_0 = arith.constant 0 : i32
    return %arg0, %c0_i32 : i32, i32
  }
}

</mosaic_0001>

<sc_bundles>
// kernel: kernel.5.cloned.1.call-start
scs
__scs_entry_jumppad:
0x0: {  	(pc) =	sbr.rel $0x88, $3  }
0x1: {  	(tag) =	ssettag $0x0;
	lr =	simm.s32 $0x1  }
0x2: {  	[smem:$0x3F9C] =	sst lr;
	_ =	strace $0xD0000000  }
0x3: {  	_ = 	snop  }
0x4: {  	_ = 	snop  }
0x5: {  	_ = 	snop  }
0x6: {  	_ = 	snop  }
0x7: {  	_ = 	snop  }
__scs_overlays_trampoline_lowered:
0x8: {  	[smem:$0x3FAB] =	sst s0  }
0x9: {  	[smem:$0x3FAC] =	sst s1  }
0xa: {  	[smem:$0x3FAD] =	sst s2  }
0xb: {  	[smem:$0x3FAE] =	sst s3  }
0xc: {  	[smem:$0x3FAF] =	sst s4  }
0xd: {  	[smem:$0x3FB0] =	sst s5  }
0xe: {  	[smem:$0x3FB1] =	sst s6  }
0xf: {  	[smem:$0x3FB2] =	sst s7  }
0x10: {  	[smem:$0x3FB3] =	sst s8  }
0x11: {  	[smem:$0x3FB4] =	sst s9;
	s0 =	simm.s32 @!p0 $0x0  }
0x12: {  	s1 =	sld [smem:$0x3F9A];
	s0 =	simm.s32 @p0 $0x1  }
0x13: {  	[smem:$0x3FB5] =	sst s0;
	s0 =	simm.s32 @!p1 $0x0  }
0x14: {  	s2 =	sld [smem:$0x3F99];
	s0 =	simm.s32 @p1 $0x1  }
0x15: {  	[smem:$0x3FB6] =	sst s0;
	s0 =	simm.s32 @!p2 $0x0  }
0x16: {  	s3 =	sld [smem:$0x3FDB];
	s0 =	simm.s32 @p2 $0x1  }
0x17: {  	s4 =	simm.s32 $0x1BF5;
	[smem:$0x3FB8] =	sst s0  }
0x18: {  	s0 =	sld [smem:$0x3F9B];
	_ =	swait.ge [sflag:s4], $0x0  }
0x19: {  	s7 =	sld [smem:$0x3F9C]  }
0x1a: {  	s8 =	sadd.s32 $0xFFFFE003, lr  }
0x1b: {  	s9 =	sadd.s32 $0xFFFFFEF7, lr;
	s5 =	simm.s32 $0xFFFFFFFF;
	p2 =	slt.u32 s8, $0xFFFFF086  }
0x1c: {  	p1 =	slt.u32 s9, $0xF7A;
	s5 =	simm.s32 @!p2 $0x0  }
0x1d: {  	s5 =	simm.s32 @p1 $0x1;
	p0 =	seq.s32 s7, s2  }
0x1e: {  	s7 =	smul.u32 @!p0 $0xF7A, s2;
	p2 =	seq.s32 @!p0 s5, $0x0  }
0x1f: {  	s9 =	smul.u32 $0xF7A, s1;
	s8 =	simm.s32 @!p0 $0x1BF5;
	p2 =	por !p2, p0  }
0x20: {  	[sflag:s8] =	ssyncset.s32 @!p0 $0xFFFFF086;
	s6 =	sadd.s32 @!p0 s3, s7;
	s7 =	simm.s32 @!p0 $0x108  }
0x21: {  	s3 =	sadd.s32 s3, s9;
	s6 =	sadd.s32 @!p0 $0x88, s6;
	s7 =	simm.s32 @p2 $0x1082  }
0x22: {  	[simem:s7], [sflag:s8] =	dma.local @!p0 [hbm:s6], $0xF7A  }
0x23: {  	s9 =	sor.u32 $0xD0000000, s2;
	s6 =	simm.s32 $0x108;
	_ =	swait.ge @!p0 [sflag:s8], $0x0  }
0x24: {  	s3 =	sadd.s32 $0x88, s3;
	s6 =	simm.s32 @!p1 $0x1082;
	[sflag:s4] =	ssyncset.s32 $0xFFFFF086  }
0x25: {  	[simem:s6], [sflag:s4] =	dma.local [hbm:s3], $0xF7A  }
0x26: {  	[smem:$0x3F9C] =	sst s1;
	(tag) =	ssettag s2;
	_ =	strace s9  }
0x27: {  	s1 =	sld [smem:$0x3FAC]  }
0x28: {  	s2 =	sld [smem:$0x3FAD]  }
0x29: {  	s4 =	sld [smem:$0x3FAF]  }
0x2a: {  	p0 =	seq.s32 s5, $0x0;
	s5 =	sld [smem:$0x3FB0]  }
0x2b: {  	s6 =	sld [smem:$0x3FB1]  }
0x2c: {  	s7 =	sld [smem:$0x3FB2]  }
0x2d: {  	s3 =	simm.s32 $0x108;
	s8 =	sld [smem:$0x3FB3]  }
0x2e: {  	s3 =	simm.s32 @!p0 $0x1082;
	s9 =	sld [smem:$0x3FB4]  }
0x2f: {  	lr =	sadd.s32 s0, s3;
	s0 =	sld [smem:$0x3FAB]  }
0x30: {  	s3 =	sld [smem:$0x3FAE]  }
0x31: {  	[smem:$0x3FB7] =	sst s10  }
0x32: {  	s10 =	sld [smem:$0x3FB5];
	_ =	sdelay $0x3  }
0x33: {  	p0 =	seq.s32 s10, $0x1;
	s10 =	sld [smem:$0x3FB7];
	_ =	sdelay $0x3  }
0x34: {  	[smem:$0x3FB7] =	sst s10  }
0x35: {  	s10 =	sld [smem:$0x3FB6];
	_ =	sdelay $0x3  }
0x36: {  	p1 =	seq.s32 s10, $0x1;
	s10 =	sld [smem:$0x3FB7];
	_ =	sdelay $0x3  }
0x37: {  	[smem:$0x3FB7] =	sst s10  }
0x38: {  	s10 =	sld [smem:$0x3FB8]  }
0x39: {  	_ = 	snop;
	(pc) =	sbr.ind lr, $3  }
0x3a: {  	_ = 	snop  }
0x3b: {  	_ = 	snop  }
0x3c: {  	p2 =	seq.s32 s10, $0x1;
	s10 =	sld [smem:$0x3FB7]  }
0x3d: {  	_ =	shalt  }
0x3e: {  	_ =	shalt  }
0x3f: {  	_ =	shalt  }
0x40: {  	_ =	shalt  }
0x41: {  	_ =	shalt  }
0x42: {  	_ =	shalt  }
0x43: {  	_ =	shalt  }
0x44: {  	_ =	shalt  }
0x45: {  	_ =	shalt  }
0x46: {  	_ =	shalt  }
0x47: {  	_ =	shalt  }
0x48: {  	_ =	shalt  }
0x49: {  	_ =	shalt  }
0x4a: {  	_ =	shalt  }
0x4b: {  	_ =	shalt  }
0x4c: {  	_ =	shalt  }
0x4d: {  	_ =	shalt  }
0x4e: {  	_ =	shalt  }
0x4f: {  	_ =	shalt  }
0x50: {  	_ =	shalt  }
0x51: {  	_ =	shalt  }
0x52: {  	_ =	shalt  }
0x53: {  	_ =	shalt  }
0x54: {  	_ =	shalt  }
0x55: {  	_ =	shalt  }
0x56: {  	_ =	shalt  }
0x57: {  	_ =	shalt  }
0x58: {  	_ =	shalt  }
0x59: {  	_ =	shalt  }
0x5a: {  	_ =	shalt  }
0x5b: {  	_ =	shalt  }
0x5c: {  	_ =	shalt  }
0x5d: {  	_ =	shalt  }
0x5e: {  	_ =	shalt  }
0x5f: {  	_ =	shalt  }
0x60: {  	_ =	shalt  }
0x61: {  	_ =	shalt  }
0x62: {  	_ =	shalt  }
0x63: {  	_ =	shalt  }
0x64: {  	_ =	shalt  }
0x65: {  	_ =	shalt  }
0x66: {  	_ =	shalt  }
0x67: {  	_ =	shalt  }
0x68: {  	_ =	shalt  }
0x69: {  	_ =	shalt  }
0x6a: {  	_ =	shalt  }
0x6b: {  	_ =	shalt  }
0x6c: {  	_ =	shalt  }
0x6d: {  	_ =	shalt  }
0x6e: {  	_ =	shalt  }
0x6f: {  	_ =	shalt  }
0x70: {  	_ =	shalt  }
0x71: {  	_ =	shalt  }
0x72: {  	_ =	shalt  }
0x73: {  	_ =	shalt  }
0x74: {  	_ =	shalt  }
0x75: {  	_ =	shalt  }
0x76: {  	_ =	shalt  }
0x77: {  	_ =	shalt  }
0x78: {  	_ =	shalt  }
0x79: {  	_ =	shalt  }
0x7a: {  	_ =	shalt  }
0x7b: {  	_ =	shalt  }
0x7c: {  	_ =	shalt  }
0x7d: {  	_ =	shalt  }
0x7e: {  	_ =	shalt  }
0x7f: {  	_ =	shalt  }
0x80: {  	_ =	shalt  }
0x81: {  	_ =	shalt  }
0x82: {  	_ =	shalt  }
0x83: {  	_ =	shalt  }
0x84: {  	_ =	shalt  }
0x85: {  	_ =	shalt  }
0x86: {  	_ =	shalt  }
0x87: {  	_ =	shalt  }
.Lfunc_end0:
.L_simem_size_0:
called_computation_lowered:
.L_overlay_start_0:
0x88: {  	s2 =	sld [smem:$0x3FD9]  }
0x89: {  	s3 =	sld [smem:$0x3FFE];
	_ =	sdelay $0x1  }
0x8a: {  	s1 =	srdreg.scid  }
0x8b: {  	s0 =	sand.u32 $0x1, s1  }
0x8c: {  	s17 =	sshll.u32 s0, $0xA;
	s2 =	sadd.s32 s3, s2  }
0x8d: {  	s2 =	sadd.s32 s2, s17  }
0x8e: {  	[smem:$0x3FC3] =	sst s2  }
0x8f: {  	_ = 	snop  }
0x90: {  	s2 =	sld [smem:$0x3FC8]  }
0x91: {  	s18 =	sld [smem:$0x3FD0];
	(tm) =	ssettm $0x1  }
0x92: {  	s4 =	sld [smem:$0x3FFB];
	_ =	sdelay $0x3  }
0x93: {  	_ =	strace s4  }
0x94: {  	s4 =	sld [smem:$0x3FFC];
	_ =	sdelay $0x3  }
0x95: {  	_ =	strace s4  }
0x96: {  	s4 =	sld [smem:$0x3FFD];
	_ =	sdelay $0x3  }
0x97: {  	_ =	strace s4  }
0x98: {  	_ =	strace $0x8FFFFFFF  }
0x99: {  	s19 =	sld [smem:$0x3FDB];
	_ =	sdelay $0x1  }
0x9a: {  	s5 =	simm.s32 $_scs_section_size  }
0x9b: {  	s6 =	simm.s32 $_size__tile_overlayer_lowered;
	s7 =	simm.s32 $_tile_overlayer_lowered  }
0x9c: {  	s22 =	simm.s32 $0x1BFF;
	s21 =	sshll.u32 s7, $0x1;
	s4 =	sadd.s32 s5, s19  }
0x9d: {  	s8 =	simm.s32 $0x0;
	s20 =	sshll.u32 s6, $0x1;
	s6 =	sadd.s32 s21, s4  }
0x9e: {  	[timem:s8], [sflag:s22] =	dma.local [hbm:s6], s20  }
0x9f: {  	_ =	swait.ge [sflag:s22], s20  }
0xa0: {  	s5 =	ssub.s32 $0x0, s20;
	[sflag:s22] =	ssyncset.done $0x0  }
0xa1: {  	[sflag:s22] =	ssyncadd.s32 s5;
	_ =	sdelay $0x1  }
0xa2: {  	s23 =	simm.s32 $0x1B8B  }
0xa3: {  	_ =	swait.ge [sflag:s23], $0x1  }
0xa4: {  	[sflag:s23] =	ssyncset.done $0x0  }
0xa5: {  	s25 =	simm.s32 $0x1B8E;
	s24 =	sld [smem:$0x3FFE];
	[sflag:s23] =	ssyncadd.s32 $0xFFFFFFFF  }
0xa6: {  	s26 =	simm.s32 $execute0_lowered;
	[smem:$0x3FD2] =	sst s25  }
0xa7: {  	s6 =	sshll.u32 s26, $0x1;
	_ =	strace $0x80000046;
	[dreg:$0x1] =	wrdreg $0xFFFFFFFF  }
0xa8: {  	s28 =	simm.s32 $_size_execute0_lowered;
	s4 =	sadd.s32 s4, s6;
	[dreg:$0x0] =	wrdreg $0x0  }
0xa9: {  	s6 =	sshll.u32 s28, $0x1;
	[dreg:$0x2] =	wrdreg s4  }
0xaa: {  	[dreg:$0x3] =	wrdreg s6  }
0xab: {  	[dreg:$0x4] =	wrdreg $0xC0  }
0xac: {  	_ =	task [dreg:s8], $0x5FFFF  }
0xad: {  	[dreg:$0x1] =	wrdreg $0xFFFFFFFF  }
0xae: {  	[dreg:$0x0] =	wrdreg $0x60  }
0xaf: {  	[dreg:$0x2] =	wrdreg s18  }
0xb0: {  	[dreg:$0x3] =	wrdreg s2  }
0xb1: {  	[dreg:$0x4] =	wrdreg s24  }
0xb2: {  	[dreg:$0x5] =	wrdreg $0xC4000  }
0xb3: {  	[dreg:$0x6] =	wrdreg $0x9  }
0xb4: {  	_ =	task.clear_ibuf [dreg:s8], $0x7FFFF;
	_ =	strace $0x90000046  }
0xb5: {  	s29 =	simm.s32 $0x9;
	_ =	strace $0x80000048  }
0xb6: {  	_ =	swait.ge [sflag:s29], $0x1  }
0xb7: {  	[sflag:s29] =	ssyncadd.s32 $0xFFFFFFFF  }
0xb8: {  	_ =	strace $0x90000048  }
0xb9: {  	_ =	sfence  }
0xba: {  	s30 =	sld [smem:$0x0];
	_ =	sdelay $0x2  }
0xbb: {  	s31 =	sshll.u32 s1, $0xD;
	s1 =	sshrl.u32 s1, $0x2  }
0xbc: {  	s3 =	sand.u32 $0x4000, s31;
	s1 =	sadd.s32 s1, s30  }
0xbd: {  	s0 =	sor.u32 s3, s0;
	s1 =	sshll.u32 s1, $0x11  }
0xbe: {  	s0 =	sor.u32 s1, s0  }
0xbf: {  	s0 =	sadd.s32 $0x8F2B, s0  }
0xc0: {  	[sflag:s0] =	ssyncadd.remote.s32 $0x1  }
0xc1: {  	_ =	sfence.sel $0xFFFF  }
0xc2: {  	[dreg:$0x0] =	wrdreg $0xFFFFFFFF;
	(pc) =	sbr.abs _section_cstart, $3  }
0xc3: {  	[dreg:$0x1] =	wrdreg $0xFFFFFFFF  }
0xc4: {  	_ =	task.clear_ibuf [dreg:s8], $0x2FFFF;
	_ =	strace $0x9FFFFFFF  }
0xc5: {  	(tm) =	ssettm $0x7FFFFFFF  }
tec
execute0_lowered:
.L_overlay_start_1:
0x0: {  	(tag) =	ssettag $0x1  }
0x1: {  	s5 =	srdreg.scid;
	s4 =	stileid.u32  }
0x2: {  	s7 =	sand.u32 $0x1, s5;
	s11 =	smul.u32 $0x14000, s4  }
0x3: {  	s26 =	sshll.u32 s4, $0x3;
	s5 =	sshllo.u32 s4, $0x3;
	s8 =	smul.u32 $0x138800, s7  }
0x4: {  	s10 =	sor.u32 $0x1, s26;
	s23 =	smul.u32 $0x2800, s5  }
0x5: {  	s28 =	ssub.s32 $0x2, s7;
	s31 =	sshll.u32 s7, $0x4;
	s7 =	smul.u32 $0x4E0, s7  }
0x6: {  	s1 =	rddreg [dreg:$0x0];
	s12 =	sor.u32 $0x2, s26;
	s13 =	smul.u32 $0x2800, s10  }
0x7: {  	s0 =	rddreg [dreg:$0x1];
	s14 =	sor.u32 $0x3, s26;
	s15 =	smul.u32 $0x2800, s12  }
0x8: {  	s2 =	rddreg [dreg:$0x2];
	s18 =	sor.u32 $0x4, s26;
	s16 =	smul.u32 $0x2800, s14  }
0x9: {  	s6 =	simm.s32 $0x0;
	s19 =	sor.u32 $0x5, s26;
	s17 =	smul.u32 $0x2800, s18  }
0xa: {  	[smem:$0x7FF] =	sst s6;
	s6 =	sor.u32 $0x6, s26;
	s21 =	smul.u32 $0x2800, s19  }
0xb: {  	s3 =	rddreg [dreg:$0x3];
	s9 =	sadd.s32 $0xE00, s2;
	s22 =	smul.u32 $0x2800, s6  }
0xc: {  	p1 =	sgt.u32 s5, $0x7C;
	s20 =	sor.u32 s4, s31;
	s31 =	smul.u32 $0x4E, s4  }
0xd: {  	s30 =	sshrl.u32 s28, $0x1;
	s10 =	smul.u32 $0xA000, s10;
	p0 =	sgt.u32 s6, $0x7C  }
0xe: {  	s2 =	ssub.s32 s28, s30;
	s11 =	sadd.s32 s11, s8;
	p2 =	slt.u32 s20, $0x4  }
0xf: {  	s28 =	smin.u32 s20, $0x4;
	s13 =	sadd.s32 s8, s13;
	s15 =	sadd.s32 s8, s15  }
0x10: {  	s16 =	sadd.s32 s8, s16;
	s17 =	sadd.s32 s8, s17;
	s21 =	sadd.s32 s8, s21  }
0x11: {  	s22 =	sadd.s32 s8, s22;
	s8 =	sadd.s32 s8, s23;
	s23 =	smul.u32 $0x4E, s20  }
0x12: {  	s11 =	sshrl.u32 s11, $0x3;
	s7 =	sadd.s32 s31, s7;
	s10 =	sshrl.u32 s10, $0x2  }
0x13: {  	s2 =	smax.u32 s2, $0x1;
	s13 =	sshrl.u32 s13, $0x3;
	s11 =	sadd.s32 s9, s11  }
0x14: {  	s15 =	sshrl.u32 s15, $0x3;
	s16 =	sshrl.u32 s16, $0x3;
	s17 =	sshrl.u32 s17, $0x3  }
0x15: {  	s25 =	sshrl.u32 s21, $0x3;
	s26 =	sshrl.u32 s22, $0x3;
	s8 =	sshrl.u32 s8, $0x3  }
0x16: {  	s7 =	sadd.s32 s28, s7;
	s21 =	smul.u32 $0xA000, s14;
	[dreg:$0x6] =	wrdreg s11  }
0x17: {  	s13 =	sadd.s32 s9, s13;
	s11 =	sadd.s32 s9, s15;
	s24 =	sadd.s32 s9, s17  }
0x18: {  	s8 =	sadd.s32 s9, s8;
	s15 =	sadd.s32 s28, s23;
	s17 =	smul.u32 $0xA000, s12  }
0x19: {  	s23 =	smul.u32 $0xA000, s18;
	s7 =	sshll.u32 s7, $0x5;
	[dreg:$0x7] =	wrdreg s13  }
0x1a: {  	s28 =	smul.u32 $0xA000, s5;
	s12 =	simm.s32 $0x100;
	[dreg:$0x8] =	wrdreg s11  }
0x1b: {  	s5 =	simm.s32 $0x80;
	s11 =	sadd.s32 s9, s16;
	[dreg:$0xa] =	wrdreg s24  }
0x1c: {  	[dreg:$0xd] =	wrdreg s8;
	s13 =	simm.s32 $0x4F;
	s16 =	smul.u32 $0x50000, s4  }
0x1d: {  	s22 =	sshrl.u32 s21, $0x2;
	s21 =	simm.s32 $0x4C;
	[dreg:$0x9] =	wrdreg s11  }
0x1e: {  	s11 =	sadd.s32 s9, s25;
	s13 =	simm.s32 @!p2 $0x4E;
	s8 =	sshrl.u32 s17, $0x2  }
0x1f: {  	s18 =	sadd.s32 s22, s3;
	s25 =	smul.u32 $0xA000, s19;
	s21 =	simm.s32 @!p2 $0x4B  }
0x20: {  	p2 =	seq.s32 s4, $0xF;
	[dreg:$0xb] =	wrdreg s11;
	s11 =	sadd.s32 s9, s26  }
0x21: {  	s30 =	sshll.u32 s13, $0x2;
	s9 =	sshll.u32 s15, $0x5;
	s20 =	sshrl.u32 s16, $0x2  }
0x22: {  	s16 =	sadd.s32 s10, s3;
	s17 =	sadd.s32 s8, s3;
	s26 =	smul.u32 $0xA000, s6  }
0x23: {  	s6 =	sshrl.u32 s28, $0x2;
	s29 =	sadd.s32 $0x4, s21;
	[dreg:$0xc] =	wrdreg s11  }
0x24: {  	s24 =	sadd.s32 s0, s9;
	s15 =	sadd.s32 s20, s3;
	s9 =	sshrl.u32 s23, $0x2  }
0x25: {  	s0 =	sadd.s32 s0, s7;
	s8 =	sshrl.u32 s25, $0x2;
	s23 =	sadd.s32 s6, s3  }
0x26: {  	s6 =	simm.s32 $0x8;
	_ =	strace $0x80000047;
	[dreg:$0x5] =	wrdreg s30  }
0x27: {  	s19 =	sadd.s32 s9, s3;
	s20 =	sadd.s32 s8, s3;
	[dreg:$0xf] =	wrdreg s2  }
0x28: {  	s7 =	sshrl.u32 s26, $0x2;
	s0 =	sadd.s32 $0x60, s0;
	[dreg:$0xe] =	wrdreg s24  }
0x29: {  	s30 =	sadd.s32 $0x20, s24;
	s31 =	sadd.s32 $0x40, s24;
	[dreg:$0x10] =	wrdreg s0  }
0x2a: {  	s2 =	simm.s32 $0xB;
	s22 =	sadd.s32 s7, s3;
	[dreg:$0x11] =	wrdreg s30  }
0x2b: {  	v0 =	vimm.f32 $0.0e+00;
	[dreg:$0x12] =	wrdreg s31;
	s0 =	simm.s32 $0x8400;
	s7 =	simm.s32 $0x0  }
.LBB2_1:
0x2c: {  	s4 =	simm.s32 $0x0;
	s8 =	rddreg [dreg:$0xe]  }
0x2d: {  	[tilespmem:s4], [sflag:$0x7] =	stream.linear.gather [hbm4b:s8+s4], $0x100, $0x38;
	[tilespmem:$0x1FC80] =	vst v63  }
0x2e: {  	s30 =	rddreg [dreg:$0x11]  }
0x2f: {  	[tilespmem:s12], [sflag:$0x8] =	stream.linear.gather [hbm4b:s30+s4], $0x100, $0x38;
	[tilespmem:$0x1FC80] =	vst v63  }
0x30: {  	s31 =	rddreg [dreg:$0x12];
	s9 =	simm.s32 $0x200  }
0x31: {  	[tilespmem:s9], [sflag:$0x9] =	stream.linear.gather [hbm4b:s31+s4], $0x100, $0x38;
	[tilespmem:$0x1FC80] =	vst v63  }
0x32: {  	s8 =	simm.s32 $0x0;
	s9 =	simm.s32 $0x200  }
.LBB2_2:
0x33: {  	p3 =	sne.s32 s9, $0x9E00;
	[tilespmem:s8+$0x8470] =	vst v0  }
0x34: {  	[tilespmem:s8+$0x8400] =	vst v0  }
0x35: {  	[tilespmem:s8+$0x8410] =	vst v0  }
.Ltmp0:
0x36: {  	[tilespmem:s8+$0x8420] =	vst v0;
	(pc) =	sbr.rel @p3 .LBB2_2-.Ltmp0, $4  }
0x37: {  	[tilespmem:s8+$0x8430] =	vst v0  }
0x38: {  	[tilespmem:s8+$0x8440] =	vst v0  }
0x39: {  	[tilespmem:s8+$0x8450] =	vst v0  }
0x3a: {  	[tilespmem:s8+$0x8460] =	vst v0;
	s8 =	sshra.s32 s9, $0x2;
	s9 =	sadd.s32 $0x200, s9  }
0x3b: {  	[tilespmem:s8+$0x8470] =	vst v0  }
0x3c: {  	[tilespmem:s8+$0x8400] =	vst v0  }
0x3d: {  	[tilespmem:s8+$0x8410] =	vst v0  }
0x3e: {  	[tilespmem:s8+$0x8420] =	vst v0  }
0x3f: {  	[tilespmem:s8+$0x8430] =	vst v0  }
0x40: {  	[tilespmem:s8+$0x8440] =	vst v0  }
0x41: {  	[tilespmem:s8+$0x8450] =	vst v0  }
0x42: {  	[tilespmem:s8+$0x8460] =	vst v0  }
0x43: {  	[spmem:s15] =	stream.linear.scatter [tilespmem:s0], [sflag:$0xB], $0x2800, $0x38;
	[tilespmem:$0x1FC80] =	vst v63  }
0x44: {  	_ =	swait.ge [sflag:s2], $0x2800  }
0x45: {  	[sflag:s2] =	ssyncset.done $0x0  }
0x46: {  	[sflag:s2] =	ssyncadd.s32 $0xFFFFD800  }
0x47: {  	[spmem:s16] =	stream.linear.scatter [tilespmem:s0], [sflag:$0xB], $0x2800, $0x38;
	[tilespmem:$0x1FC80] =	vst v63  }
0x48: {  	_ =	swait.ge [sflag:s2], $0x2800  }
0x49: {  	[sflag:s2] =	ssyncset.done $0x0  }
0x4a: {  	[sflag:s2] =	ssyncadd.s32 $0xFFFFD800  }
0x4b: {  	[spmem:s17] =	stream.linear.scatter [tilespmem:s0], [sflag:$0xB], $0x2800, $0x38;
	[tilespmem:$0x1FC80] =	vst v63  }
0x4c: {  	_ =	swait.ge [sflag:s2], $0x2800  }
0x4d: {  	[sflag:s2] =	ssyncset.done $0x0  }
0x4e: {  	[sflag:s2] =	ssyncadd.s32 $0xFFFFD800  }
0x4f: {  	[spmem:s18] =	stream.linear.scatter [tilespmem:s0], [sflag:$0xB], $0x2800, $0x38;
	[tilespmem:$0x1FC80] =	vst v63  }
0x50: {  	_ =	swait.ge [sflag:s2], $0x2800  }
0x51: {  	[sflag:s2] =	ssyncset.done $0x0  }
0x52: {  	[sflag:s2] =	ssyncadd.s32 $0xFFFFD800  }
0x53: {  	[spmem:s19] =	stream.linear.scatter [tilespmem:s0], [sflag:$0xB], $0x2800, $0x38;
	[tilespmem:$0x1FC80] =	vst v63  }
0x54: {  	_ =	swait.ge [sflag:s2], $0x2800  }
0x55: {  	[sflag:s2] =	ssyncset.done $0x0  }
0x56: {  	s8 =	simm.s32 @!p2 $0x8400;
	[sflag:s2] =	ssyncadd.s32 $0xFFFFD800  }
0x57: {  	[spmem:s20] =	stream.linear.scatter @!p2 [tilespmem:s8], [sflag:$0xB], $0x2800, $0x38;
	[tilespmem:$0x1FC80] =	vst v63  }
0x58: {  	s8 =	simm.s32 @!p2 $0xB  }
0x59: {  	_ =	swait.ge @!p2 [sflag:s8], $0x2800  }
0x5a: {  	[sflag:s8] =	ssyncset.done @!p2 $0x0  }
0x5b: {  	[sflag:s8] =	ssyncadd.s32 @!p2 $0xFFFFD800;
	s8 =	simm.s32 @!p0 $0x8400  }
0x5c: {  	[spmem:s22] =	stream.linear.scatter @!p0 [tilespmem:s8], [sflag:$0xB], $0x2800, $0x38;
	[tilespmem:$0x1FC80] =	vst v63  }
0x5d: {  	s8 =	simm.s32 @!p0 $0xB  }
0x5e: {  	_ =	swait.ge @!p0 [sflag:s8], $0x2800  }
0x5f: {  	[sflag:s8] =	ssyncset.done @!p0 $0x0  }
0x60: {  	[sflag:s8] =	ssyncadd.s32 @!p0 $0xFFFFD800;
	s8 =	simm.s32 @!p1 $0x8400  }
0x61: {  	[spmem:s23] =	stream.linear.scatter @!p1 [tilespmem:s8], [sflag:$0xB], $0x2800, $0x38;
	[tilespmem:$0x1FC80] =	vst v63  }
0x62: {  	s8 =	simm.s32 @!p1 $0xB  }
0x63: {  	_ =	swait.ge @!p1 [sflag:s8], $0x2800  }
0x64: {  	[sflag:s8] =	ssyncset.done @!p1 $0x0  }
0x65: {  	s4 =	simm.s32 $0x7;
	[sflag:s8] =	ssyncadd.s32 @!p1 $0xFFFFD800  }
0x66: {  	_ =	swait.ge [sflag:s4], $0x100  }
0x67: {  	[sflag:s4] =	ssyncset.done $0x0  }
0x68: {  	s9 =	simm.s32 $0x400;
	s8 =	simm.s32 $0x0;
	[sflag:s4] =	ssyncadd.s32 $0xFFFFFF00  }
0x69: {  	[tilespmem:s9], [sflag:$0x1] =	stream.indirect.gather [hbm4b:s1+s5], $0x80, s8, s5, $0xb8;
	[tilespmem:$0x1FC80] =	vst v63  }
0x6a: {  	_ =	swait.ge [sflag:s6], $0x100  }
0x6b: {  	[sflag:s6] =	ssyncset.done $0x0  }
0x6c: {  	s31 =	simm.s32 $0x4400;
	s10 =	simm.s32 $0x3;
	[sflag:s6] =	ssyncadd.s32 $0xFFFFFF00  }
0x6d: {  	[tilespmem:s31], [sflag:$0x2] =	stream.indirect.gather [hbm4b:s1+s5], $0x80, s12, s5, $0xb8;
	[tilespmem:$0x1FC80] =	vst v63  }
0x6e: {  	s11 =	simm.s32 $0x2;
	s24 =	simm.s32 $0x0;
	[bflag:$0x0] =	sbarrier.arrive $0xFFFF  }
0x6f: {  	s30 =	simm.s32 $0x0;
	s12 =	simm.s32 $0x8400;
	s25 =	rddreg [dreg:$0x10]  }
.LBB2_4:
0x70: {  	s26 =	smulhi.u32 $0xAAAAAAAB, s30;
	_ =	sdelay $0x1  }
0x71: {  	s26 =	sshrl.u32 s26, $0x1  }
0x72: {  	s14 =	smul.u32 $0xFFFFFFF4, s26;
	_ =	sdelay $0x1  }
0x73: {  	s28 =	smulhi.u32 $0xAAAAAAAB, s11;
	s4 =	sshra.s32 s24, $0x2;
	s14 =	sshra.s32 s14, $0x2  }
0x74: {  	s31 =	smul.u32 $0xFFFD0000, s26;
	s4 =	sadd.s32 s4, s14  }
0x75: {  	s26 =	sadd.s32 $0x1, s4  }
0x76: {  	s28 =	sshrl.u32 s28, $0x1;
	s14 =	sshra.s32 s31, $0x2;
	_ =	swait.ge [sflag:s26], $0x4000  }
0x77: {  	s31 =	sand.u32 $0x300, s8;
	s14 =	sadd.s32 s14, s9;
	[sflag:s26] =	ssyncset.done $0x0  }
0x78: {  	s31 =	sor.u32 $0x80, s31;
	s4 =	sadd.s32 $0x4, s4;
	[sflag:s26] =	ssyncadd.s32 $0xFFFFC000  }
0x79: {  	[spmem:s3] =	stream.indirect.scatter.add.f32 [tilespmem:s14], [sflag:s4], $0x80, s31, s5, $0xb8;
	[tilespmem:$0x1FC80] =	vst v63  }
0x7a: {  	p3 =	seq.s32 s24, $0x0;
	s26 =	smul.u32 $0xFFFFFFF4, s28;
	s14 =	sadd.s32 $0xFFFFFFFF, s10  }
0x7b: {  	p4 =	sge.u32 @!p3 s14, s13  }
0x7c: {  	s4 =	sshra.s32 s26, $0x2;
	p4 =	por p4, p3  }
0x7d: {  	s26 =	sadd.s32 $0x6, s4;
	s31 =	sshra.s32 @!p4 s24, $0x2  }
0x7e: {  	s26 =	sadd.s32 @!p4 s31, s26  }
0x7f: {  	p3 =	sge.u32 s14, s13;
	_ =	swait.ge @!p4 [sflag:s26], $0x4000  }
0x80: {  	s14 =	sand.u32 @!p3 $0x3, s14;
	[sflag:s26] =	ssyncset.done @!p4 $0x0  }
0x81: {  	s28 =	smul.u32 $0xFFFD0000, s28;
	[sflag:s26] =	ssyncadd.s32 @!p4 $0xFFFFC000;
	s26 =	sadd.s32 @!p3 $0x7, s14  }
0x82: {  	_ =	swait.ge @!p3 [sflag:s26], $0x100  }
0x83: {  	s28 =	sshra.s32 s28, $0x2;
	s4 =	sadd.s32 $0x3, s4;
	[sflag:s26] =	ssyncset.done @!p3 $0x0  }
0x84: {  	s28 =	sadd.s32 s28, s12;
	[sflag:s26] =	ssyncadd.s32 @!p3 $0xFFFFFF00;
	s26 =	sshra.s32 @!p3 s24, $0x2  }
0x85: {  	s14 =	sshll.u32 @!p3 s14, $0x8;
	s4 =	sadd.s32 @!p3 s26, s4;
	s26 =	simm.s32 @!p3 $0x80  }
0x86: {  	[tilespmem:s28], [sflag:s4] =	stream.indirect.gather @!p3 [hbm4b:s1+s26], $0x80, s14, s26, $0xb8;
	[tilespmem:$0x1FC80] =	vst v63  }
0x87: {  	p3 =	sge.u32 s10, s13  }
0x88: {  	s31 =	rddreg [dreg:$0x5];
	s24 =	sadd.s32 $0x4, s24;
	s4 =	sand.u32 @!p3 $0x3, s10  }
0x89: {  	s26 =	simm.s32 @!p3 $0x0;
	s14 =	sshll.u32 @!p3 s4, $0x8;
	s4 =	sadd.s32 @!p3 $0x7, s4  }
0x8a: {  	[tilespmem:s14], [sflag:s4] =	stream.linear.gather @!p3 [hbm4b:s25+s26], $0x100, $0x38;
	[tilespmem:$0x1FC80] =	vst v63  }
0x8b: {  	p3 =	sne.s32 s31, s24  }
.Ltmp1:
0x8c: {  	_ = 	snop;
	(pc) =	sbr.rel @p3 .LBB2_4-.Ltmp1, $4  }
0x8d: {  	_ = 	snop  }
0x8e: {  	s30 =	sadd.s32 $0x1, s30  }
0x8f: {  	s11 =	sadd.s32 $0x1, s11;
	s8 =	sadd.s32 $0x100, s8;
	s9 =	sadd.s32 $0x4000, s9  }
0x90: {  	s12 =	sadd.s32 $0x4000, s12;
	s10 =	sadd.s32 $0x1, s10;
	s25 =	sadd.s32 $0x20, s25  }
0x91: {  	s8 =	sadd.s32 $0x1, s21  }
0x92: {  	p4 =	slt.u32 s8, s13  }
.Ltmp2:
0x93: {  	_ = 	snop;
	(pc) =	sbr.rel @!p4 .LBB2_6-.Ltmp2, $3  }
0x94: {  	_ = 	snop  }
0x95: {  	s4 =	smulhi.u32 $0xAAAAAAAB, s21;
	_ =	sdelay $0x1  }
0x96: {  	p3 =	por $0x0, $0x0;
	s11 =	sshrl.u32 s4, $0x1  }
0x97: {  	s9 =	sadd.s32 $0x1, s8  }
0x98: {  	s4 =	smul.u32 $0xFFFFFFF4, s11;
	p4 =	slt.u32 s9, s13  }
.Ltmp3:
0x99: {  	_ = 	snop;
	(pc) =	sbr.rel @!p4 .LBB2_9-.Ltmp3, $4  }
0x9a: {  	s4 =	sshra.s32 s4, $0x2  }
0x9b: {  	s31 =	smulhi.u32 $0xAAAAAAAB, s8;
	s10 =	sadd.s32 s4, s29  }
0x9c: {  	s8 =	sadd.s32 $0x1, s29;
	p3 =	por $0x1, $0x1;
	_ =	swait.ge [sflag:s10], $0x4000  }
0x9d: {  	s12 =	simm.s32 $0x100;
	s11 =	sshrl.u32 s31, $0x1;
	[sflag:s10] =	ssyncset.done $0x0  }
.LBB2_8:
0x9e: {  	[sflag:s10] =	ssyncadd.s32 $0xFFFFC000;
	s10 =	smov.u32 s9;
	s9 =	sadd.s32 $0x1, s9  }
0x9f: {  	s4 =	smul.u32 $0xFFFFFFF4, s11;
	p4 =	slt.u32 s9, s13  }
.Ltmp4:
0xa0: {  	(pc) =	sbr.rel @p4 .LBB2_8-.Ltmp4, $4  }
0xa1: {  	s4 =	sshra.s32 s4, $0x2  }
0xa2: {  	s11 =	smulhi.u32 $0xAAAAAAAB, s10;
	s10 =	sadd.s32 s4, s8  }
0xa3: {  	_ =	swait.ge [sflag:s10], $0x4000  }
0xa4: {  	s11 =	sshrl.u32 s11, $0x1;
	s8 =	sadd.s32 $0x1, s8;
	[sflag:s10] =	ssyncset.done $0x0  }
.LBB2_9:
0xa5: {  	s4 =	smul.u32 $0xFFFFFFF4, s11;
	_ =	sdelay $0x1  }
0xa6: {  	s4 =	sshra.s32 s4, $0x2  }
0xa7: {  	[sflag:s10] =	ssyncadd.s32 @p3 $0xFFFFC000;
	s4 =	sadd.s32 s4, s8  }
0xa8: {  	_ =	swait.ge [sflag:s4], $0x4000  }
0xa9: {  	[sflag:s4] =	ssyncset.done $0x0  }
0xaa: {  	s30 =	stileid.u32;
	[sflag:s4] =	ssyncadd.s32 $0xFFFFC000  }
0xab: {  	s4 =	sshll.u32 s30, $0x6;
	[bflag:$0x0] =	sbarrier.arrive $0xFFFF  }
0xac: {  	s31 =	sshrl.u32 s15, $0x3;
	s4 =	sor.u32 $0x1C0B, s4;
	s9 =	rddreg [dreg:$0x6]  }
0xad: {  	[hbm:s9], [sflag:s4] =	dma.local [spmem:s31], $0x500  }
0xae: {  	_ =	swait.ge [sflag:s2], $0x500  }
0xaf: {  	[sflag:s2] =	ssyncset.done $0x0  }
0xb0: {  	s10 =	sshrl.u32 s16, $0x3;
	s11 =	rddreg [dreg:$0x7];
	[sflag:s2] =	ssyncadd.s32 $0xFFFFFB00  }
0xb1: {  	[hbm:s11], [sflag:s4] =	dma.local [spmem:s10], $0x500  }
0xb2: {  	_ =	swait.ge [sflag:s2], $0x500  }
0xb3: {  	[sflag:s2] =	ssyncset.done $0x0  }
0xb4: {  	s14 =	sshrl.u32 s17, $0x3;
	s24 =	rddreg [dreg:$0x8];
	[sflag:s2] =	ssyncadd.s32 $0xFFFFFB00  }
0xb5: {  	[hbm:s24], [sflag:s4] =	dma.local [spmem:s14], $0x500  }
0xb6: {  	_ =	swait.ge [sflag:s2], $0x500  }
0xb7: {  	[sflag:s2] =	ssyncset.done $0x0  }
0xb8: {  	s25 =	sshrl.u32 s18, $0x3;
	s26 =	rddreg [dreg:$0x9];
	[sflag:s2] =	ssyncadd.s32 $0xFFFFFB00  }
0xb9: {  	[hbm:s26], [sflag:s4] =	dma.local [spmem:s25], $0x500  }
0xba: {  	_ =	swait.ge [sflag:s2], $0x500  }
0xbb: {  	[sflag:s2] =	ssyncset.done $0x0  }
0xbc: {  	s28 =	sshrl.u32 s19, $0x3;
	s30 =	rddreg [dreg:$0xa];
	[sflag:s2] =	ssyncadd.s32 $0xFFFFFB00  }
0xbd: {  	[hbm:s30], [sflag:s4] =	dma.local [spmem:s28], $0x500  }
0xbe: {  	_ =	swait.ge [sflag:s2], $0x500  }
0xbf: {  	[sflag:s2] =	ssyncset.done $0x0  }
0xc0: {  	s8 =	sshrl.u32 @!p2 s20, $0x3;
	s9 =	rddreg [dreg:$0xb];
	[sflag:s2] =	ssyncadd.s32 $0xFFFFFB00  }
0xc1: {  	[hbm:s9], [sflag:s4] =	dma.local @!p2 [spmem:s8], $0x500  }
0xc2: {  	s8 =	simm.s32 @!p2 $0xB  }
0xc3: {  	_ =	swait.ge @!p2 [sflag:s8], $0x500  }
0xc4: {  	[sflag:s8] =	ssyncset.done @!p2 $0x0  }
0xc5: {  	s9 =	rddreg [dreg:$0xc];
	[sflag:s8] =	ssyncadd.s32 @!p2 $0xFFFFFB00;
	s8 =	sshrl.u32 @!p0 s22, $0x3  }
0xc6: {  	[hbm:s9], [sflag:s4] =	dma.local @!p0 [spmem:s8], $0x500  }
0xc7: {  	s8 =	simm.s32 @!p0 $0xB  }
0xc8: {  	_ =	swait.ge @!p0 [sflag:s8], $0x500  }
0xc9: {  	[sflag:s8] =	ssyncset.done @!p0 $0x0  }
0xca: {  	s9 =	rddreg [dreg:$0xd];
	[sflag:s8] =	ssyncadd.s32 @!p0 $0xFFFFFB00;
	s8 =	sshrl.u32 @!p1 s23, $0x3  }
0xcb: {  	[hbm:s9], [sflag:s4] =	dma.local @!p1 [spmem:s8], $0x500  }
0xcc: {  	s4 =	simm.s32 @!p1 $0xB  }
0xcd: {  	_ =	swait.ge @!p1 [sflag:s4], $0x500  }
0xce: {  	s7 =	sadd.s32 $0x1, s7;
	s31 =	rddreg [dreg:$0xf]  }
0xcf: {  	p3 =	sne.s32 s7, s31  }
.Ltmp5:
0xd0: {  	_ = 	snop;
	(pc) =	sbr.rel @p3 .LBB2_1-.Ltmp5, $4  }
.Ltmp6:
0xd1: {  	_ = 	snop;
	(pc) =	sbr.rel @!p3 .LBB2_10-.Ltmp6, $4  }
0xd2: {  	_ = 	snop  }
0xd3: {  	[sflag:s4] =	ssyncset.done @!p1 $0x0  }
0xd4: {  	[sflag:s4] =	ssyncadd.s32 @!p1 $0xFFFFFB00  }
0xd5: {  	_ = 	snop  }
.LBB2_6:
.Ltmp7:
0xd6: {  	(pc) =	sbr.rel .LBB2_9-.Ltmp7, $2  }
0xd7: {  	_ =	sdelay $0x2  }
0xd8: {  	s8 =	smov.u32 s29;
	s12 =	simm.s32 $0x100  }
.LBB2_10:
0xd9: {  	_ =	sfence.sel $0x180000  }
0xda: {  	[bflag:$0x0] =	sbarrier.arrive $0xFFFF  }
0xdb: {  	_ =	strace $0x90000047  }
0xdc: {  	s0 =	stileid.u32;
	[bflag:$0x2] =	sbarrier.arrive $0xFFFF  }
0xdd: {  	p0 =	sne.s32 s0, $0x0;
	s0 =	rddreg [dreg:$0x4]  }
0xde: {  	s0 =	sadd.s32 @!p0 $0x100000, s0  }
0xdf: {  	[sflag:s0] =	ssyncadd.tile.s32 @!p0 $0x1;
	_ =	shalt  }
.Lfunc_end2:
_tile_overlayer_lowered:
.L_overlay_start_2:
0xe0: {  	(tag) =	ssettag $0x2  }
0xe1: {  	s0 =	rddreg [dreg:$0x0];
	s2 =	stileid.u32  }
0xe2: {  	s1 =	rddreg [dreg:$0x1];
	p0 =	sne.s32 s2, $0x0  }
0xe3: {  	s3 =	rddreg [dreg:$0x2];
	[bflag:$0x3] =	sbarrier.arrive $0xFFFF;
	s2 =	simm.s32 @!p0 $0x1C0B  }
0xe4: {  	[timem:s3], [sflag:s2] =	dma.local @!p0 [hbm:s0], s1  }
0xe5: {  	s0 =	simm.s32 @!p0 $0xB  }
0xe6: {  	_ =	swait.ge @!p0 [sflag:s0], s1  }
0xe7: {  	s1 =	ssub.s32 @!p0 $0x0, s1;
	[sflag:s0] =	ssyncset.done @!p0 $0x0  }
0xe8: {  	[sflag:s0] =	ssyncadd.s32 @!p0 s1  }
0xe9: {  	[bflag:$0x3] =	sbarrier.arrive $0xFFFF  }
0xea: {  	_ =	shalt  }

</sc_bundles>
